<compile_context>
chip_gen: v7x
topology: tpu7x:2x2x1
jax: 0.10.2.dev20260603
libtpu: 0.0.44.dev20260713+nightly
codegen_flags: <defaults>
</compile_context>

<pallas_src>
import functools

import jax
import jax.numpy as jnp
from jax.experimental import pallas as pl
from jax.experimental.pallas import tpu as pltpu

_BN_EPS = 1e-3
_EPS_SCALE = 0.01
_G = 64


def _dot(a, b):
    return jax.lax.dot_general(
        a, b, (((1,), (0,)), ((), ())), preferred_element_type=jnp.float32
    )


def _fold_bn(bn):
    s = bn["gamma"] * jax.lax.rsqrt(bn["var"] + _BN_EPS)
    t = bn["beta"] - bn["mean"] * s
    return s, t


def _body(n_nodes, kl_scale,
          x_ref, adj_ref, eps_ref,
          w1, b1, w2, b2, w3, b3, w4, b4, wf, bf,
          wm, bm, wv, bv,
          wo1, bo1, wo2, bo2, wo3, bo3,
          wa1, ba1, wa2, ba2, wa3, ba3,
          clsv, dmat, ebias,
          ops_out, padj_out, kl_out, mean_out,
          agg_scr):
    relu = jax.nn.relu
    N = n_nodes
    G = _G
    rows = G * N
    for g in range(G):
        xg = x_ref[g]
        agg_scr[g * N:(g + 1) * N, :] = xg + _dot(adj_ref[g], xg)
    h = relu(_dot(agg_scr[...], w1[...]) + b1[...])
    h = relu(_dot(h, w2[...]) + b2[...])
    h = relu(_dot(h, w3[...]) + b3[...])
    h = relu(_dot(h, w4[...]) + b4[...])
    h = relu(_dot(h, wf[...]) + bf[...])
    mean = _dot(h, wm[...]) + bm[...]
    var = _dot(h, wv[...]) + bv[...]
    latent = mean.shape[1]
    mean_out[...] = mean.reshape(G, N, latent)
    evar = jnp.exp(var)
    kl_out[...] = (jnp.sum(1.0 + var - mean * mean - evar) * kl_scale).reshape(
        1, 1, 1)
    eps = eps_ref[...].reshape(rows, latent)
    c = mean + jnp.exp(var * 0.5) * eps * _EPS_SCALE
    o = relu(_dot(c, wo1[...]) + bo1[...])
    o = relu(_dot(o, wo2[...]) + bo2[...])
    lo = _dot(o, wo3[...]) + bo3[...]
    m = jnp.max(lo, axis=-1, keepdims=True)
    e = jnp.exp(lo - m)
    sm = e / jnp.sum(e, axis=-1, keepdims=True)
    ops_out[...] = sm.reshape(G, N, lo.shape[1])
    a = relu(_dot(c, wa1[...]) + ba1[...])
    a = relu(_dot(a, wa2[...]) + ba2[...])
    a = relu(_dot(a, wa3[...]) + ba3[...])
    s = jax.nn.sigmoid(a * clsv[0, 0] + clsv[0, 1])
    padj = _dot(s, dmat[...]) + ebias[...]
    padj_out[...] = padj.reshape(G, N, 2 * N)


def kernel(x, adj, eps_noise, params):
    B, N, F = x.shape
    p = params
    latent = p["Wm"].shape[1]
    num_ops = p["ops_W"][2].shape[1]
    f32 = jnp.float32

    s0, t0 = _fold_bn(p["gin_bn"][0])
    s1, t1 = _fold_bn(p["gin_bn"][1])
    s2, t2 = _fold_bn(p["gin_bn"][2])
    s3, t3 = _fold_bn(p["gin_bn"][3])
    se, te = _fold_bn(p["enc_bn"])
    w1, b1 = p["gin_W"][0], p["gin_b"][0]
    w2 = s0[:, None] * p["gin_W"][1]
    b2 = p["gin_b"][1] + t0 @ p["gin_W"][1]
    w3 = s1[:, None] * p["gin_W"][2]
    b3 = p["gin_b"][2] + t1 @ p["gin_W"][2]
    w4 = s2[:, None] * p["gin_W"][3]
    b4 = p["gin_b"][3] + t2 @ p["gin_W"][3]
    wf = s3[:, None] * p["gin_Wf"]
    bf = p["gin_bf"] + t3 @ p["gin_Wf"]
    wm = se[:, None] * p["Wm"]
    bm = p["bm"] + te @ p["Wm"]
    wv = se[:, None] * p["Wv"]
    bv = p["bv"] + te @ p["Wv"]

    dw = p["cls_W"][0, 1] - p["cls_W"][0, 0]
    db = p["cls_b"][1] - p["cls_b"][0]
    clsv = jnp.stack([dw, db]).reshape(1, 2)
    j = jnp.arange(N)
    k = jnp.arange(2 * N)
    dmat = (jnp.where(jnp.equal(k[None, :], 2 * j[:, None] + 1), 1.0, 0.0)
            - jnp.where(jnp.equal(k[None, :], 2 * j[:, None]), 1.0,
                        0.0)).astype(f32)
    ebias = jnp.where((k % 2) == 0, 1.0, 0.0).astype(f32).reshape(1, 2 * N)

    nb = B // _G
    const2 = lambda i: (0, 0)
    wspec = lambda a: pl.BlockSpec(a.shape, const2)
    blk3 = lambda d: pl.BlockSpec((_G, N, d), lambda i: (i, 0, 0))

    b1r, b2r, b3r, b4r, bfr = (v.reshape(1, -1) for v in (b1, b2, b3, b4, bf))
    bmr, bvr = bm.reshape(1, -1), bv.reshape(1, -1)
    bo1, bo2, bo3 = (v.reshape(1, -1) for v in p["ops_b"])
    ba1, ba2, ba3 = (v.reshape(1, -1) for v in p["adj_b"])
    wo1, wo2, wo3 = p["ops_W"]
    wa1, wa2, wa3 = p["adj_W"]

    weight_args = [w1, b1r, w2, b2r, w3, b3r, w4, b4r, wf, bfr,
                   wm, bmr, wv, bvr,
                   wo1, bo1, wo2, bo2, wo3, bo3,
                   wa1, ba1, wa2, ba2, wa3, ba3,
                   clsv, dmat, ebias]

    out = pl.pallas_call(
        functools.partial(_body, N, -0.5 / float(B * N)),
        grid=(nb,),
        in_specs=[
            blk3(F),
            pl.BlockSpec((_G, N, N), lambda i: (i, 0, 0)),
            blk3(latent),
        ] + [wspec(a) for a in weight_args],
        out_specs=[
            blk3(num_ops),
            pl.BlockSpec((_G, N, 2 * N), lambda i: (i, 0, 0)),
            pl.BlockSpec((1, 1, 1), lambda i: (i, 0, 0)),
            blk3(latent),
        ],
        out_shape=[
            jax.ShapeDtypeStruct((B, N, num_ops), f32),
            jax.ShapeDtypeStruct((B, N, 2 * N), f32),
            jax.ShapeDtypeStruct((nb, 1, 1), f32),
            jax.ShapeDtypeStruct((B, N, latent), f32),
        ],
        scratch_shapes=[
            pltpu.VMEM((_G * N, F), f32),
        ],
        compiler_params=pltpu.CompilerParams(
            dimension_semantics=("arbitrary",),
        ),
    )(x, adj, eps_noise, *weight_args)

    ops_cls, padj, klp, mean = out
    adj_cls = padj.reshape(B, N * N, 2)
    return ops_cls, adj_cls, jnp.sum(klp), mean

# --- scband reference (transcript-rebuilt; emitter-appended) ---
"""Pipeline reference for scband-graph-autoencoder-20401094656405 (READ-ONLY COPY).

The authoritative reference and input builder live on the scoring server;
editing this copy changes nothing except your own understanding.
"""

import jax, jax.numpy as jnp
import numpy as np

B, N, F = 4096, 64, 16
LATENT = 16
DFF = 256
NUM_OPS = 16
NUM_NODES = 64
HID = 128
EPS_SCALE = 0.01
BN_EPS = 1e-3


def _glorot(key, fan_in, fan_out):
    limit = float(np.sqrt(6.0 / (fan_in + fan_out)))
    return jax.random.uniform(key, (fan_in, fan_out), jnp.float32, -limit, limit)


def setup_inputs(seed: int = 0):
    key = jax.random.key(seed)
    ks = jax.random.split(key, 40)
    x = jax.random.normal(ks[0], (B, N, F), jnp.float32)
    adj = jax.random.uniform(ks[1], (B, N, N), jnp.float32)
    eps_noise = jax.random.normal(ks[2], (B, N, LATENT), jnp.float32)
    dims = [F, HID, HID, HID, HID]
    gin_W = [_glorot(ks[3 + i], dims[i], dims[i + 1]) for i in range(4)]
    gin_b = [jnp.zeros((dims[i + 1],), jnp.float32) for i in range(4)]
    gin_bn = [{"gamma": jnp.ones((HID,), jnp.float32), "beta": jnp.zeros((HID,), jnp.float32), "mean": jnp.zeros((HID,), jnp.float32), "var": jnp.ones((HID,), jnp.float32)} for _ in range(4)]
    params = {
        "gin_W": gin_W, "gin_b": gin_b, "gin_bn": gin_bn,
        "gin_Wf": _glorot(ks[8], HID, LATENT), "gin_bf": jnp.zeros((LATENT,), jnp.float32),
        "enc_bn": {"gamma": jnp.ones((LATENT,), jnp.float32), "beta": jnp.zeros((LATENT,), jnp.float32), "mean": jnp.zeros((LATENT,), jnp.float32), "var": jnp.ones((LATENT,), jnp.float32)},
        "Wm": _glorot(ks[9], LATENT, LATENT), "bm": jnp.zeros((LATENT,), jnp.float32),
        "Wv": _glorot(ks[10], LATENT, LATENT), "bv": jnp.zeros((LATENT,), jnp.float32),
        "ops_W": [_glorot(ks[11], LATENT, DFF), _glorot(ks[12], DFF, DFF), _glorot(ks[13], DFF, NUM_OPS)],
        "ops_b": [jnp.zeros((DFF,), jnp.float32), jnp.zeros((DFF,), jnp.float32), jnp.zeros((NUM_OPS,), jnp.float32)],
        "adj_W": [_glorot(ks[14], LATENT, DFF), _glorot(ks[15], DFF, DFF), _glorot(ks[16], DFF, NUM_NODES)],
        "adj_b": [jnp.zeros((DFF,), jnp.float32), jnp.zeros((DFF,), jnp.float32), jnp.zeros((NUM_NODES,), jnp.float32)],
        "cls_W": _glorot(ks[17], 1, 2), "cls_b": jnp.zeros((2,), jnp.float32),
    }
    return {"x": x, "adj": adj, "eps_noise": eps_noise, "params": params}


def _bn(h, p):
    return (h - p["mean"]) / jnp.sqrt(p["var"] + BN_EPS) * p["gamma"] + p["beta"]


def _forward(x, adj, eps_noise, params):
    # GINConvBatch: MLP((1+eps)*x + A @ x), eps=0, mlp_hidden=[128]*4, batchnorm, relu
    h = (1.0 + 0.0) * x + jnp.einsum("bij,bjf->bif", adj, x)
    for i in range(4):
        h = jax.nn.relu(h @ params["gin_W"][i] + params["gin_b"][i])
        h = _bn(h, params["gin_bn"][i])
    h = jax.nn.relu(h @ params["gin_Wf"] + params["gin_bf"])
    # encoder BN (inference mode), dropout=0 is identity
    h = _bn(h, params["enc_bn"])
    latent_mean = h @ params["Wm"] + params["bm"]
    latent_var = h @ params["Wv"] + params["bv"]
    # reparameterization sample with externally supplied noise
    c = latent_mean + jnp.exp(latent_var * 0.5) * eps_noise * EPS_SCALE
    kl = -0.5 * jnp.sum(1.0 + latent_var - jnp.square(latent_mean) - jnp.exp(latent_var), axis=-1)
    kl_loss = jnp.mean(kl)
    # MLPDecoder, num_layers=3
    ops = c
    for i in range(2):
        ops = jax.nn.relu(ops @ params["ops_W"][i] + params["ops_b"][i])
    ops_cls = jax.nn.softmax(ops @ params["ops_W"][2] + params["ops_b"][2], axis=-1)
    a = c
    for i in range(2):
        a = jax.nn.relu(a @ params["adj_W"][i] + params["adj_b"][i])
    a = jax.nn.relu(a @ params["adj_W"][2] + params["adj_b"][2])
    a = a.reshape(a.shape[0], -1, 1)
    adj_cls = jax.nn.softmax(a @ params["cls_W"] + params["cls_b"], axis=-1)
    return (ops_cls, adj_cls, kl_loss, latent_mean)


def reference(x, adj, eps_noise, params):
    return _forward(x, adj, eps_noise, params)

if __name__ == "__main__":
    import jax
    _d = setup_inputs()
    print(jax.jit(kernel)(*tuple(_d.values())))

</pallas_src>

<mosaic_0001>
module attributes {stable_mosaic.version = 14 : i64} {
  func.func @_body(%arg0: i32, %arg1: memref<64x64x16xf32, #tpu.memory_space<vmem>>, %arg2: memref<64x64x64xf32, #tpu.memory_space<vmem>>, %arg3: memref<64x64x16xf32, #tpu.memory_space<vmem>>, %arg4: memref<16x128xf32, #tpu.memory_space<vmem>>, %arg5: memref<1x128xf32, #tpu.memory_space<vmem>>, %arg6: memref<128x128xf32, #tpu.memory_space<vmem>>, %arg7: memref<1x128xf32, #tpu.memory_space<vmem>>, %arg8: memref<128x128xf32, #tpu.memory_space<vmem>>, %arg9: memref<1x128xf32, #tpu.memory_space<vmem>>, %arg10: memref<128x128xf32, #tpu.memory_space<vmem>>, %arg11: memref<1x128xf32, #tpu.memory_space<vmem>>, %arg12: memref<128x16xf32, #tpu.memory_space<vmem>>, %arg13: memref<1x16xf32, #tpu.memory_space<vmem>>, %arg14: memref<16x16xf32, #tpu.memory_space<vmem>>, %arg15: memref<1x16xf32, #tpu.memory_space<vmem>>, %arg16: memref<16x16xf32, #tpu.memory_space<vmem>>, %arg17: memref<1x16xf32, #tpu.memory_space<vmem>>, %arg18: memref<16x256xf32, #tpu.memory_space<vmem>>, %arg19: memref<1x256xf32, #tpu.memory_space<vmem>>, %arg20: memref<256x256xf32, #tpu.memory_space<vmem>>, %arg21: memref<1x256xf32, #tpu.memory_space<vmem>>, %arg22: memref<256x16xf32, #tpu.memory_space<vmem>>, %arg23: memref<1x16xf32, #tpu.memory_space<vmem>>, %arg24: memref<16x256xf32, #tpu.memory_space<vmem>>, %arg25: memref<1x256xf32, #tpu.memory_space<vmem>>, %arg26: memref<256x256xf32, #tpu.memory_space<vmem>>, %arg27: memref<1x256xf32, #tpu.memory_space<vmem>>, %arg28: memref<256x64xf32, #tpu.memory_space<vmem>>, %arg29: memref<1x64xf32, #tpu.memory_space<vmem>>, %arg30: memref<1x2xf32, #tpu.memory_space<vmem>>, %arg31: memref<64x128xf32, #tpu.memory_space<vmem>>, %arg32: memref<1x128xf32, #tpu.memory_space<vmem>>, %arg33: memref<64x64x16xf32, #tpu.memory_space<vmem>>, %arg34: memref<64x64x128xf32, #tpu.memory_space<vmem>>, %arg35: memref<1x1x1xf32, #tpu.memory_space<vmem>>, %arg36: memref<64x64x16xf32, #tpu.memory_space<vmem>>, %arg37: memref<4096x16xf32, #tpu.memory_space<vmem>>) attributes {dimension_semantics = [#tpu.dimension_semantics<arbitrary>], iteration_bounds = array<i64: 64>, scalar_prefetch = 0 : i64, scratch_operands = 1 : i64, tpu.core_type = #tpu.core_type<tc>, window_params = [{transform_indices = @transform_0, window_bounds = array<i64: 64, 64, 16>}, {transform_indices = @transform_1, window_bounds = array<i64: 64, 64, 64>}, {transform_indices = @transform_2, window_bounds = array<i64: 64, 64, 16>}, {pipeline_mode = #tpu.pipeline_mode<synchronous>, transform_indices = @transform_3, window_bounds = array<i64: 16, 128>}, {pipeline_mode = #tpu.pipeline_mode<synchronous>, transform_indices = @transform_4, window_bounds = array<i64: 1, 128>}, {pipeline_mode = #tpu.pipeline_mode<synchronous>, transform_indices = @transform_5, window_bounds = array<i64: 128, 128>}, {pipeline_mode = #tpu.pipeline_mode<synchronous>, transform_indices = @transform_6, window_bounds = array<i64: 1, 128>}, {pipeline_mode = #tpu.pipeline_mode<synchronous>, transform_indices = @transform_7, window_bounds = array<i64: 128, 128>}, {pipeline_mode = #tpu.pipeline_mode<synchronous>, transform_indices = @transform_8, window_bounds = array<i64: 1, 128>}, {pipeline_mode = #tpu.pipeline_mode<synchronous>, transform_indices = @transform_9, window_bounds = array<i64: 128, 128>}, {pipeline_mode = #tpu.pipeline_mode<synchronous>, transform_indices = @transform_10, window_bounds = array<i64: 1, 128>}, {pipeline_mode = #tpu.pipeline_mode<synchronous>, transform_indices = @transform_11, window_bounds = array<i64: 128, 16>}, {pipeline_mode = #tpu.pipeline_mode<synchronous>, transform_indices = @transform_12, window_bounds = array<i64: 1, 16>}, {pipeline_mode = #tpu.pipeline_mode<synchronous>, transform_indices = @transform_13, window_bounds = array<i64: 16, 16>}, {pipeline_mode = #tpu.pipeline_mode<synchronous>, transform_indices = @transform_14, window_bounds = array<i64: 1, 16>}, {pipeline_mode = #tpu.pipeline_mode<synchronous>, transform_indices = @transform_15, window_bounds = array<i64: 16, 16>}, {pipeline_mode = #tpu.pipeline_mode<synchronous>, transform_indices = @transform_16, window_bounds = array<i64: 1, 16>}, {pipeline_mode = #tpu.pipeline_mode<synchronous>, transform_indices = @transform_17, window_bounds = array<i64: 16, 256>}, {pipeline_mode = #tpu.pipeline_mode<synchronous>, transform_indices = @transform_18, window_bounds = array<i64: 1, 256>}, {pipeline_mode = #tpu.pipeline_mode<synchronous>, transform_indices = @transform_19, window_bounds = array<i64: 256, 256>}, {pipeline_mode = #tpu.pipeline_mode<synchronous>, transform_indices = @transform_20, window_bounds = array<i64: 1, 256>}, {pipeline_mode = #tpu.pipeline_mode<synchronous>, transform_indices = @transform_21, window_bounds = array<i64: 256, 16>}, {pipeline_mode = #tpu.pipeline_mode<synchronous>, transform_indices = @transform_22, window_bounds = array<i64: 1, 16>}, {pipeline_mode = #tpu.pipeline_mode<synchronous>, transform_indices = @transform_23, window_bounds = array<i64: 16, 256>}, {pipeline_mode = #tpu.pipeline_mode<synchronous>, transform_indices = @transform_24, window_bounds = array<i64: 1, 256>}, {pipeline_mode = #tpu.pipeline_mode<synchronous>, transform_indices = @transform_25, window_bounds = array<i64: 256, 256>}, {pipeline_mode = #tpu.pipeline_mode<synchronous>, transform_indices = @transform_26, window_bounds = array<i64: 1, 256>}, {pipeline_mode = #tpu.pipeline_mode<synchronous>, transform_indices = @transform_27, window_bounds = array<i64: 256, 64>}, {pipeline_mode = #tpu.pipeline_mode<synchronous>, transform_indices = @transform_28, window_bounds = array<i64: 1, 64>}, {pipeline_mode = #tpu.pipeline_mode<synchronous>, transform_indices = @transform_29, window_bounds = array<i64: 1, 2>}, {pipeline_mode = #tpu.pipeline_mode<synchronous>, transform_indices = @transform_30, window_bounds = array<i64: 64, 128>}, {pipeline_mode = #tpu.pipeline_mode<synchronous>, transform_indices = @transform_31, window_bounds = array<i64: 1, 128>}, {transform_indices = @transform_32, window_bounds = array<i64: 64, 64, 16>}, {transform_indices = @transform_33, window_bounds = array<i64: 64, 64, 128>}, {transform_indices = @transform_34, window_bounds = array<i64: 1, 1, 1>}, {transform_indices = @transform_35, window_bounds = array<i64: 64, 64, 16>}]} {
    %get3A = arith.constant 0 : index
    %get3A_0 = arith.constant 0 : index
    %get3A_1 = arith.constant 0 : index
    %get3A_2 = vector.load %arg1[%get3A, %get3A_0, %get3A_1] : memref<64x64x16xf32, #tpu.memory_space<vmem>>, vector<1x64x16xf32>
    %get3A_3 = vector.shape_cast %get3A_2 : vector<1x64x16xf32> to vector<64x16xf32>
    %get3A_4 = arith.constant 0 : index
    %get3A_5 = arith.constant 0 : index
    %get3A_6 = arith.constant 0 : index
    %get3A_7 = vector.load %arg2[%get3A_4, %get3A_5, %get3A_6] : memref<64x64x64xf32, #tpu.memory_space<vmem>>, vector<1x64x64xf32>
    %get3A_8 = vector.shape_cast %get3A_7 : vector<1x64x64xf32> to vector<64x64xf32>
    %dot_general3A = arith.constant dense<0.000000e+00> : vector<64x16xf32>
    %dot_general3A_9 = tpu.matmul %get3A_8, %get3A_3, %dot_general3A {dimension_numbers = #tpu.dot_dimension_numbers<[1], [0], [0], [1], [0, 0, 1, 1], [], []>, transpose_lhs_hint = false} : vector<64x64xf32>, vector<64x16xf32>, vector<64x16xf32> -> vector<64x16xf32>
    %add3A = arith.addf %get3A_3, %dot_general3A_9 : vector<64x16xf32>
    %swap3A = arith.constant 0 : index
    %swap3A_10 = arith.constant 0 : index
    %swap3A_11 = vector.load %arg37[%swap3A, %swap3A_10] : memref<4096x16xf32, #tpu.memory_space<vmem>>, vector<64x16xf32>
    tpu.vector_store %arg37[%swap3A, %swap3A_10], %add3A {strides = array<i32>} : memref<4096x16xf32, #tpu.memory_space<vmem>>, vector<64x16xf32>,
    %get3A_12 = arith.constant 1 : index
    %get3A_13 = arith.constant 0 : index
    %get3A_14 = arith.constant 0 : index
    %get3A_15 = vector.load %arg1[%get3A_12, %get3A_13, %get3A_14] : memref<64x64x16xf32, #tpu.memory_space<vmem>>, vector<1x64x16xf32>
    %get3A_16 = vector.shape_cast %get3A_15 : vector<1x64x16xf32> to vector<64x16xf32>
    %get3A_17 = arith.constant 1 : index
    %get3A_18 = arith.constant 0 : index
    %get3A_19 = arith.constant 0 : index
    %get3A_20 = vector.load %arg2[%get3A_17, %get3A_18, %get3A_19] : memref<64x64x64xf32, #tpu.memory_space<vmem>>, vector<1x64x64xf32>
    %get3A_21 = vector.shape_cast %get3A_20 : vector<1x64x64xf32> to vector<64x64xf32>
    %dot_general3A_22 = arith.constant dense<0.000000e+00> : vector<64x16xf32>
    %dot_general3A_23 = tpu.matmul %get3A_21, %get3A_16, %dot_general3A_22 {dimension_numbers = #tpu.dot_dimension_numbers<[1], [0], [0], [1], [0, 0, 1, 1], [], []>, transpose_lhs_hint = false} : vector<64x64xf32>, vector<64x16xf32>, vector<64x16xf32> -> vector<64x16xf32>
    %add3A_24 = arith.addf %get3A_16, %dot_general3A_23 : vector<64x16xf32>
    %swap3A_25 = arith.constant 64 : index
    %swap3A_26 = arith.constant 0 : index
    %swap3A_27 = vector.load %arg37[%swap3A_25, %swap3A_26] : memref<4096x16xf32, #tpu.memory_space<vmem>>, vector<64x16xf32>
    tpu.vector_store %arg37[%swap3A_25, %swap3A_26], %add3A_24 {strides = array<i32>} : memref<4096x16xf32, #tpu.memory_space<vmem>>, vector<64x16xf32>,
    %get3A_28 = arith.constant 2 : index
    %get3A_29 = arith.constant 0 : index
    %get3A_30 = arith.constant 0 : index
    %get3A_31 = vector.load %arg1[%get3A_28, %get3A_29, %get3A_30] : memref<64x64x16xf32, #tpu.memory_space<vmem>>, vector<1x64x16xf32>
    %get3A_32 = vector.shape_cast %get3A_31 : vector<1x64x16xf32> to vector<64x16xf32>
    %get3A_33 = arith.constant 2 : index
    %get3A_34 = arith.constant 0 : index
    %get3A_35 = arith.constant 0 : index
    %get3A_36 = vector.load %arg2[%get3A_33, %get3A_34, %get3A_35] : memref<64x64x64xf32, #tpu.memory_space<vmem>>, vector<1x64x64xf32>
    %get3A_37 = vector.shape_cast %get3A_36 : vector<1x64x64xf32> to vector<64x64xf32>
    %dot_general3A_38 = arith.constant dense<0.000000e+00> : vector<64x16xf32>
    %dot_general3A_39 = tpu.matmul %get3A_37, %get3A_32, %dot_general3A_38 {dimension_numbers = #tpu.dot_dimension_numbers<[1], [0], [0], [1], [0, 0, 1, 1], [], []>, transpose_lhs_hint = false} : vector<64x64xf32>, vector<64x16xf32>, vector<64x16xf32> -> vector<64x16xf32>
    %add3A_40 = arith.addf %get3A_32, %dot_general3A_39 : vector<64x16xf32>
    %swap3A_41 = arith.constant 128 : index
    %swap3A_42 = arith.constant 0 : index
    %swap3A_43 = vector.load %arg37[%swap3A_41, %swap3A_42] : memref<4096x16xf32, #tpu.memory_space<vmem>>, vector<64x16xf32>
    tpu.vector_store %arg37[%swap3A_41, %swap3A_42], %add3A_40 {strides = array<i32>} : memref<4096x16xf32, #tpu.memory_space<vmem>>, vector<64x16xf32>,
    %get3A_44 = arith.constant 3 : index
    %get3A_45 = arith.constant 0 : index
    %get3A_46 = arith.constant 0 : index
    %get3A_47 = vector.load %arg1[%get3A_44, %get3A_45, %get3A_46] : memref<64x64x16xf32, #tpu.memory_space<vmem>>, vector<1x64x16xf32>
    %get3A_48 = vector.shape_cast %get3A_47 : vector<1x64x16xf32> to vector<64x16xf32>
    %get3A_49 = arith.constant 3 : index
    %get3A_50 = arith.constant 0 : index
    %get3A_51 = arith.constant 0 : index
    %get3A_52 = vector.load %arg2[%get3A_49, %get3A_50, %get3A_51] : memref<64x64x64xf32, #tpu.memory_space<vmem>>, vector<1x64x64xf32>
    %get3A_53 = vector.shape_cast %get3A_52 : vector<1x64x64xf32> to vector<64x64xf32>
    %dot_general3A_54 = arith.constant dense<0.000000e+00> : vector<64x16xf32>
    %dot_general3A_55 = tpu.matmul %get3A_53, %get3A_48, %dot_general3A_54 {dimension_numbers = #tpu.dot_dimension_numbers<[1], [0], [0], [1], [0, 0, 1, 1], [], []>, transpose_lhs_hint = false} : vector<64x64xf32>, vector<64x16xf32>, vector<64x16xf32> -> vector<64x16xf32>
    %add3A_56 = arith.addf %get3A_48, %dot_general3A_55 : vector<64x16xf32>
    %swap3A_57 = arith.constant 192 : index
    %swap3A_58 = arith.constant 0 : index
    %swap3A_59 = vector.load %arg37[%swap3A_57, %swap3A_58] : memref<4096x16xf32, #tpu.memory_space<vmem>>, vector<64x16xf32>
    tpu.vector_store %arg37[%swap3A_57, %swap3A_58], %add3A_56 {strides = array<i32>} : memref<4096x16xf32, #tpu.memory_space<vmem>>, vector<64x16xf32>,
    %get3A_60 = arith.constant 4 : index
    %get3A_61 = arith.constant 0 : index
    %get3A_62 = arith.constant 0 : index
    %get3A_63 = vector.load %arg1[%get3A_60, %get3A_61, %get3A_62] : memref<64x64x16xf32, #tpu.memory_space<vmem>>, vector<1x64x16xf32>
    %get3A_64 = vector.shape_cast %get3A_63 : vector<1x64x16xf32> to vector<64x16xf32>
    %get3A_65 = arith.constant 4 : index
    %get3A_66 = arith.constant 0 : index
    %get3A_67 = arith.constant 0 : index
    %get3A_68 = vector.load %arg2[%get3A_65, %get3A_66, %get3A_67] : memref<64x64x64xf32, #tpu.memory_space<vmem>>, vector<1x64x64xf32>
    %get3A_69 = vector.shape_cast %get3A_68 : vector<1x64x64xf32> to vector<64x64xf32>
    %dot_general3A_70 = arith.constant dense<0.000000e+00> : vector<64x16xf32>
    %dot_general3A_71 = tpu.matmul %get3A_69, %get3A_64, %dot_general3A_70 {dimension_numbers = #tpu.dot_dimension_numbers<[1], [0], [0], [1], [0, 0, 1, 1], [], []>, transpose_lhs_hint = false} : vector<64x64xf32>, vector<64x16xf32>, vector<64x16xf32> -> vector<64x16xf32>
    %add3A_72 = arith.addf %get3A_64, %dot_general3A_71 : vector<64x16xf32>
    %swap3A_73 = arith.constant 256 : index
    %swap3A_74 = arith.constant 0 : index
    %swap3A_75 = vector.load %arg37[%swap3A_73, %swap3A_74] : memref<4096x16xf32, #tpu.memory_space<vmem>>, vector<64x16xf32>
    tpu.vector_store %arg37[%swap3A_73, %swap3A_74], %add3A_72 {strides = array<i32>} : memref<4096x16xf32, #tpu.memory_space<vmem>>, vector<64x16xf32>,
    %get3A_76 = arith.constant 5 : index
    %get3A_77 = arith.constant 0 : index
    %get3A_78 = arith.constant 0 : index
    %get3A_79 = vector.load %arg1[%get3A_76, %get3A_77, %get3A_78] : memref<64x64x16xf32, #tpu.memory_space<vmem>>, vector<1x64x16xf32>
    %get3A_80 = vector.shape_cast %get3A_79 : vector<1x64x16xf32> to vector<64x16xf32>
    %get3A_81 = arith.constant 5 : index
    %get3A_82 = arith.constant 0 : index
    %get3A_83 = arith.constant 0 : index
    %get3A_84 = vector.load %arg2[%get3A_81, %get3A_82, %get3A_83] : memref<64x64x64xf32, #tpu.memory_space<vmem>>, vector<1x64x64xf32>
    %get3A_85 = vector.shape_cast %get3A_84 : vector<1x64x64xf32> to vector<64x64xf32>
    %dot_general3A_86 = arith.constant dense<0.000000e+00> : vector<64x16xf32>
    %dot_general3A_87 = tpu.matmul %get3A_85, %get3A_80, %dot_general3A_86 {dimension_numbers = #tpu.dot_dimension_numbers<[1], [0], [0], [1], [0, 0, 1, 1], [], []>, transpose_lhs_hint = false} : vector<64x64xf32>, vector<64x16xf32>, vector<64x16xf32> -> vector<64x16xf32>
    %add3A_88 = arith.addf %get3A_80, %dot_general3A_87 : vector<64x16xf32>
    %swap3A_89 = arith.constant 320 : index
    %swap3A_90 = arith.constant 0 : index
    %swap3A_91 = vector.load %arg37[%swap3A_89, %swap3A_90] : memref<4096x16xf32, #tpu.memory_space<vmem>>, vector<64x16xf32>
    tpu.vector_store %arg37[%swap3A_89, %swap3A_90], %add3A_88 {strides = array<i32>} : memref<4096x16xf32, #tpu.memory_space<vmem>>, vector<64x16xf32>,
    %get3A_92 = arith.constant 6 : index
    %get3A_93 = arith.constant 0 : index
    %get3A_94 = arith.constant 0 : index
    %get3A_95 = vector.load %arg1[%get3A_92, %get3A_93, %get3A_94] : memref<64x64x16xf32, #tpu.memory_space<vmem>>, vector<1x64x16xf32>
    %get3A_96 = vector.shape_cast %get3A_95 : vector<1x64x16xf32> to vector<64x16xf32>
    %get3A_97 = arith.constant 6 : index
    %get3A_98 = arith.constant 0 : index
    %get3A_99 = arith.constant 0 : index
    %get3A_100 = vector.load %arg2[%get3A_97, %get3A_98, %get3A_99] : memref<64x64x64xf32, #tpu.memory_space<vmem>>, vector<1x64x64xf32>
    %get3A_101 = vector.shape_cast %get3A_100 : vector<1x64x64xf32> to vector<64x64xf32>
    %dot_general3A_102 = arith.constant dense<0.000000e+00> : vector<64x16xf32>
    %dot_general3A_103 = tpu.matmul %get3A_101, %get3A_96, %dot_general3A_102 {dimension_numbers = #tpu.dot_dimension_numbers<[1], [0], [0], [1], [0, 0, 1, 1], [], []>, transpose_lhs_hint = false} : vector<64x64xf32>, vector<64x16xf32>, vector<64x16xf32> -> vector<64x16xf32>
    %add3A_104 = arith.addf %get3A_96, %dot_general3A_103 : vector<64x16xf32>
    %swap3A_105 = arith.constant 384 : index
    %swap3A_106 = arith.constant 0 : index
    %swap3A_107 = vector.load %arg37[%swap3A_105, %swap3A_106] : memref<4096x16xf32, #tpu.memory_space<vmem>>, vector<64x16xf32>
    tpu.vector_store %arg37[%swap3A_105, %swap3A_106], %add3A_104 {strides = array<i32>} : memref<4096x16xf32, #tpu.memory_space<vmem>>, vector<64x16xf32>,
    %get3A_108 = arith.constant 7 : index
    %get3A_109 = arith.constant 0 : index
    %get3A_110 = arith.constant 0 : index
    %get3A_111 = vector.load %arg1[%get3A_108, %get3A_109, %get3A_110] : memref<64x64x16xf32, #tpu.memory_space<vmem>>, vector<1x64x16xf32>
    %get3A_112 = vector.shape_cast %get3A_111 : vector<1x64x16xf32> to vector<64x16xf32>
    %get3A_113 = arith.constant 7 : index
    %get3A_114 = arith.constant 0 : index
    %get3A_115 = arith.constant 0 : index
    %get3A_116 = vector.load %arg2[%get3A_113, %get3A_114, %get3A_115] : memref<64x64x64xf32, #tpu.memory_space<vmem>>, vector<1x64x64xf32>
    %get3A_117 = vector.shape_cast %get3A_116 : vector<1x64x64xf32> to vector<64x64xf32>
    %dot_general3A_118 = arith.constant dense<0.000000e+00> : vector<64x16xf32>
    %dot_general3A_119 = tpu.matmul %get3A_117, %get3A_112, %dot_general3A_118 {dimension_numbers = #tpu.dot_dimension_numbers<[1], [0], [0], [1], [0, 0, 1, 1], [], []>, transpose_lhs_hint = false} : vector<64x64xf32>, vector<64x16xf32>, vector<64x16xf32> -> vector<64x16xf32>
    %add3A_120 = arith.addf %get3A_112, %dot_general3A_119 : vector<64x16xf32>
    %swap3A_121 = arith.constant 448 : index
    %swap3A_122 = arith.constant 0 : index
    %swap3A_123 = vector.load %arg37[%swap3A_121, %swap3A_122] : memref<4096x16xf32, #tpu.memory_space<vmem>>, vector<64x16xf32>
    tpu.vector_store %arg37[%swap3A_121, %swap3A_122], %add3A_120 {strides = array<i32>} : memref<4096x16xf32, #tpu.memory_space<vmem>>, vector<64x16xf32>,
    %get3A_124 = arith.constant 8 : index
    %get3A_125 = arith.constant 0 : index
    %get3A_126 = arith.constant 0 : index
    %get3A_127 = vector.load %arg1[%get3A_124, %get3A_125, %get3A_126] : memref<64x64x16xf32, #tpu.memory_space<vmem>>, vector<1x64x16xf32>
    %get3A_128 = vector.shape_cast %get3A_127 : vector<1x64x16xf32> to vector<64x16xf32>
    %get3A_129 = arith.constant 8 : index
    %get3A_130 = arith.constant 0 : index
    %get3A_131 = arith.constant 0 : index
    %get3A_132 = vector.load %arg2[%get3A_129, %get3A_130, %get3A_131] : memref<64x64x64xf32, #tpu.memory_space<vmem>>, vector<1x64x64xf32>
    %get3A_133 = vector.shape_cast %get3A_132 : vector<1x64x64xf32> to vector<64x64xf32>
    %dot_general3A_134 = arith.constant dense<0.000000e+00> : vector<64x16xf32>
    %dot_general3A_135 = tpu.matmul %get3A_133, %get3A_128, %dot_general3A_134 {dimension_numbers = #tpu.dot_dimension_numbers<[1], [0], [0], [1], [0, 0, 1, 1], [], []>, transpose_lhs_hint = false} : vector<64x64xf32>, vector<64x16xf32>, vector<64x16xf32> -> vector<64x16xf32>
    %add3A_136 = arith.addf %get3A_128, %dot_general3A_135 : vector<64x16xf32>
    %swap3A_137 = arith.constant 512 : index
    %swap3A_138 = arith.constant 0 : index
    %swap3A_139 = vector.load %arg37[%swap3A_137, %swap3A_138] : memref<4096x16xf32, #tpu.memory_space<vmem>>, vector<64x16xf32>
    tpu.vector_store %arg37[%swap3A_137, %swap3A_138], %add3A_136 {strides = array<i32>} : memref<4096x16xf32, #tpu.memory_space<vmem>>, vector<64x16xf32>,
    %get3A_140 = arith.constant 9 : index
    %get3A_141 = arith.constant 0 : index
    %get3A_142 = arith.constant 0 : index
    %get3A_143 = vector.load %arg1[%get3A_140, %get3A_141, %get3A_142] : memref<64x64x16xf32, #tpu.memory_space<vmem>>, vector<1x64x16xf32>
    %get3A_144 = vector.shape_cast %get3A_143 : vector<1x64x16xf32> to vector<64x16xf32>
    %get3A_145 = arith.constant 9 : index
    %get3A_146 = arith.constant 0 : index
    %get3A_147 = arith.constant 0 : index
    %get3A_148 = vector.load %arg2[%get3A_145, %get3A_146, %get3A_147] : memref<64x64x64xf32, #tpu.memory_space<vmem>>, vector<1x64x64xf32>
    %get3A_149 = vector.shape_cast %get3A_148 : vector<1x64x64xf32> to vector<64x64xf32>
    %dot_general3A_150 = arith.constant dense<0.000000e+00> : vector<64x16xf32>
    %dot_general3A_151 = tpu.matmul %get3A_149, %get3A_144, %dot_general3A_150 {dimension_numbers = #tpu.dot_dimension_numbers<[1], [0], [0], [1], [0, 0, 1, 1], [], []>, transpose_lhs_hint = false} : vector<64x64xf32>, vector<64x16xf32>, vector<64x16xf32> -> vector<64x16xf32>
    %add3A_152 = arith.addf %get3A_144, %dot_general3A_151 : vector<64x16xf32>
    %swap3A_153 = arith.constant 576 : index
    %swap3A_154 = arith.constant 0 : index
    %swap3A_155 = vector.load %arg37[%swap3A_153, %swap3A_154] : memref<4096x16xf32, #tpu.memory_space<vmem>>, vector<64x16xf32>
    tpu.vector_store %arg37[%swap3A_153, %swap3A_154], %add3A_152 {strides = array<i32>} : memref<4096x16xf32, #tpu.memory_space<vmem>>, vector<64x16xf32>,
    %get3A_156 = arith.constant 10 : index
    %get3A_157 = arith.constant 0 : index
    %get3A_158 = arith.constant 0 : index
    %get3A_159 = vector.load %arg1[%get3A_156, %get3A_157, %get3A_158] : memref<64x64x16xf32, #tpu.memory_space<vmem>>, vector<1x64x16xf32>
    %get3A_160 = vector.shape_cast %get3A_159 : vector<1x64x16xf32> to vector<64x16xf32>
    %get3A_161 = arith.constant 10 : index
    %get3A_162 = arith.constant 0 : index
    %get3A_163 = arith.constant 0 : index
    %get3A_164 = vector.load %arg2[%get3A_161, %get3A_162, %get3A_163] : memref<64x64x64xf32, #tpu.memory_space<vmem>>, vector<1x64x64xf32>
    %get3A_165 = vector.shape_cast %get3A_164 : vector<1x64x64xf32> to vector<64x64xf32>
    %dot_general3A_166 = arith.constant dense<0.000000e+00> : vector<64x16xf32>
    %dot_general3A_167 = tpu.matmul %get3A_165, %get3A_160, %dot_general3A_166 {dimension_numbers = #tpu.dot_dimension_numbers<[1], [0], [0], [1], [0, 0, 1, 1], [], []>, transpose_lhs_hint = false} : vector<64x64xf32>, vector<64x16xf32>, vector<64x16xf32> -> vector<64x16xf32>
    %add3A_168 = arith.addf %get3A_160, %dot_general3A_167 : vector<64x16xf32>
    %swap3A_169 = arith.constant 640 : index
    %swap3A_170 = arith.constant 0 : index
    %swap3A_171 = vector.load %arg37[%swap3A_169, %swap3A_170] : memref<4096x16xf32, #tpu.memory_space<vmem>>, vector<64x16xf32>
    tpu.vector_store %arg37[%swap3A_169, %swap3A_170], %add3A_168 {strides = array<i32>} : memref<4096x16xf32, #tpu.memory_space<vmem>>, vector<64x16xf32>,
    %get3A_172 = arith.constant 11 : index
    %get3A_173 = arith.constant 0 : index
    %get3A_174 = arith.constant 0 : index
    %get3A_175 = vector.load %arg1[%get3A_172, %get3A_173, %get3A_174] : memref<64x64x16xf32, #tpu.memory_space<vmem>>, vector<1x64x16xf32>
    %get3A_176 = vector.shape_cast %get3A_175 : vector<1x64x16xf32> to vector<64x16xf32>
    %get3A_177 = arith.constant 11 : index
    %get3A_178 = arith.constant 0 : index
    %get3A_179 = arith.constant 0 : index
    %get3A_180 = vector.load %arg2[%get3A_177, %get3A_178, %get3A_179] : memref<64x64x64xf32, #tpu.memory_space<vmem>>, vector<1x64x64xf32>
    %get3A_181 = vector.shape_cast %get3A_180 : vector<1x64x64xf32> to vector<64x64xf32>
    %dot_general3A_182 = arith.constant dense<0.000000e+00> : vector<64x16xf32>
    %dot_general3A_183 = tpu.matmul %get3A_181, %get3A_176, %dot_general3A_182 {dimension_numbers = #tpu.dot_dimension_numbers<[1], [0], [0], [1], [0, 0, 1, 1], [], []>, transpose_lhs_hint = false} : vector<64x64xf32>, vector<64x16xf32>, vector<64x16xf32> -> vector<64x16xf32>
    %add3A_184 = arith.addf %get3A_176, %dot_general3A_183 : vector<64x16xf32>
    %swap3A_185 = arith.constant 704 : index
    %swap3A_186 = arith.constant 0 : index
    %swap3A_187 = vector.load %arg37[%swap3A_185, %swap3A_186] : memref<4096x16xf32, #tpu.memory_space<vmem>>, vector<64x16xf32>
    tpu.vector_store %arg37[%swap3A_185, %swap3A_186], %add3A_184 {strides = array<i32>} : memref<4096x16xf32, #tpu.memory_space<vmem>>, vector<64x16xf32>,
    %get3A_188 = arith.constant 12 : index
    %get3A_189 = arith.constant 0 : index
    %get3A_190 = arith.constant 0 : index
    %get3A_191 = vector.load %arg1[%get3A_188, %get3A_189, %get3A_190] : memref<64x64x16xf32, #tpu.memory_space<vmem>>, vector<1x64x16xf32>
    %get3A_192 = vector.shape_cast %get3A_191 : vector<1x64x16xf32> to vector<64x16xf32>
    %get3A_193 = arith.constant 12 : index
    %get3A_194 = arith.constant 0 : index
    %get3A_195 = arith.constant 0 : index
    %get3A_196 = vector.load %arg2[%get3A_193, %get3A_194, %get3A_195] : memref<64x64x64xf32, #tpu.memory_space<vmem>>, vector<1x64x64xf32>
    %get3A_197 = vector.shape_cast %get3A_196 : vector<1x64x64xf32> to vector<64x64xf32>
    %dot_general3A_198 = arith.constant dense<0.000000e+00> : vector<64x16xf32>
    %dot_general3A_199 = tpu.matmul %get3A_197, %get3A_192, %dot_general3A_198 {dimension_numbers = #tpu.dot_dimension_numbers<[1], [0], [0], [1], [0, 0, 1, 1], [], []>, transpose_lhs_hint = false} : vector<64x64xf32>, vector<64x16xf32>, vector<64x16xf32> -> vector<64x16xf32>
    %add3A_200 = arith.addf %get3A_192, %dot_general3A_199 : vector<64x16xf32>
    %swap3A_201 = arith.constant 768 : index
    %swap3A_202 = arith.constant 0 : index
    %swap3A_203 = vector.load %arg37[%swap3A_201, %swap3A_202] : memref<4096x16xf32, #tpu.memory_space<vmem>>, vector<64x16xf32>
    tpu.vector_store %arg37[%swap3A_201, %swap3A_202], %add3A_200 {strides = array<i32>} : memref<4096x16xf32, #tpu.memory_space<vmem>>, vector<64x16xf32>,
    %get3A_204 = arith.constant 13 : index
    %get3A_205 = arith.constant 0 : index
    %get3A_206 = arith.constant 0 : index
    %get3A_207 = vector.load %arg1[%get3A_204, %get3A_205, %get3A_206] : memref<64x64x16xf32, #tpu.memory_space<vmem>>, vector<1x64x16xf32>
    %get3A_208 = vector.shape_cast %get3A_207 : vector<1x64x16xf32> to vector<64x16xf32>
    %get3A_209 = arith.constant 13 : index
    %get3A_210 = arith.constant 0 : index
    %get3A_211 = arith.constant 0 : index
    %get3A_212 = vector.load %arg2[%get3A_209, %get3A_210, %get3A_211] : memref<64x64x64xf32, #tpu.memory_space<vmem>>, vector<1x64x64xf32>
    %get3A_213 = vector.shape_cast %get3A_212 : vector<1x64x64xf32> to vector<64x64xf32>
    %dot_general3A_214 = arith.constant dense<0.000000e+00> : vector<64x16xf32>
    %dot_general3A_215 = tpu.matmul %get3A_213, %get3A_208, %dot_general3A_214 {dimension_numbers = #tpu.dot_dimension_numbers<[1], [0], [0], [1], [0, 0, 1, 1], [], []>, transpose_lhs_hint = false} : vector<64x64xf32>, vector<64x16xf32>, vector<64x16xf32> -> vector<64x16xf32>
    %add3A_216 = arith.addf %get3A_208, %dot_general3A_215 : vector<64x16xf32>
    %swap3A_217 = arith.constant 832 : index
    %swap3A_218 = arith.constant 0 : index
    %swap3A_219 = vector.load %arg37[%swap3A_217, %swap3A_218] : memref<4096x16xf32, #tpu.memory_space<vmem>>, vector<64x16xf32>
    tpu.vector_store %arg37[%swap3A_217, %swap3A_218], %add3A_216 {strides = array<i32>} : memref<4096x16xf32, #tpu.memory_space<vmem>>, vector<64x16xf32>,
    %get3A_220 = arith.constant 14 : index
    %get3A_221 = arith.constant 0 : index
    %get3A_222 = arith.constant 0 : index
    %get3A_223 = vector.load %arg1[%get3A_220, %get3A_221, %get3A_222] : memref<64x64x16xf32, #tpu.memory_space<vmem>>, vector<1x64x16xf32>
    %get3A_224 = vector.shape_cast %get3A_223 : vector<1x64x16xf32> to vector<64x16xf32>
    %get3A_225 = arith.constant 14 : index
    %get3A_226 = arith.constant 0 : index
    %get3A_227 = arith.constant 0 : index
    %get3A_228 = vector.load %arg2[%get3A_225, %get3A_226, %get3A_227] : memref<64x64x64xf32, #tpu.memory_space<vmem>>, vector<1x64x64xf32>
    %get3A_229 = vector.shape_cast %get3A_228 : vector<1x64x64xf32> to vector<64x64xf32>
    %dot_general3A_230 = arith.constant dense<0.000000e+00> : vector<64x16xf32>
    %dot_general3A_231 = tpu.matmul %get3A_229, %get3A_224, %dot_general3A_230 {dimension_numbers = #tpu.dot_dimension_numbers<[1], [0], [0], [1], [0, 0, 1, 1], [], []>, transpose_lhs_hint = false} : vector<64x64xf32>, vector<64x16xf32>, vector<64x16xf32> -> vector<64x16xf32>
    %add3A_232 = arith.addf %get3A_224, %dot_general3A_231 : vector<64x16xf32>
    %swap3A_233 = arith.constant 896 : index
    %swap3A_234 = arith.constant 0 : index
    %swap3A_235 = vector.load %arg37[%swap3A_233, %swap3A_234] : memref<4096x16xf32, #tpu.memory_space<vmem>>, vector<64x16xf32>
    tpu.vector_store %arg37[%swap3A_233, %swap3A_234], %add3A_232 {strides = array<i32>} : memref<4096x16xf32, #tpu.memory_space<vmem>>, vector<64x16xf32>,
    %get3A_236 = arith.constant 15 : index
    %get3A_237 = arith.constant 0 : index
    %get3A_238 = arith.constant 0 : index
    %get3A_239 = vector.load %arg1[%get3A_236, %get3A_237, %get3A_238] : memref<64x64x16xf32, #tpu.memory_space<vmem>>, vector<1x64x16xf32>
    %get3A_240 = vector.shape_cast %get3A_239 : vector<1x64x16xf32> to vector<64x16xf32>
    %get3A_241 = arith.constant 15 : index
    %get3A_242 = arith.constant 0 : index
    %get3A_243 = arith.constant 0 : index
    %get3A_244 = vector.load %arg2[%get3A_241, %get3A_242, %get3A_243] : memref<64x64x64xf32, #tpu.memory_space<vmem>>, vector<1x64x64xf32>
    %get3A_245 = vector.shape_cast %get3A_244 : vector<1x64x64xf32> to vector<64x64xf32>
    %dot_general3A_246 = arith.constant dense<0.000000e+00> : vector<64x16xf32>
    %dot_general3A_247 = tpu.matmul %get3A_245, %get3A_240, %dot_general3A_246 {dimension_numbers = #tpu.dot_dimension_numbers<[1], [0], [0], [1], [0, 0, 1, 1], [], []>, transpose_lhs_hint = false} : vector<64x64xf32>, vector<64x16xf32>, vector<64x16xf32> -> vector<64x16xf32>
    %add3A_248 = arith.addf %get3A_240, %dot_general3A_247 : vector<64x16xf32>
    %swap3A_249 = arith.constant 960 : index
    %swap3A_250 = arith.constant 0 : index
    %swap3A_251 = vector.load %arg37[%swap3A_249, %swap3A_250] : memref<4096x16xf32, #tpu.memory_space<vmem>>, vector<64x16xf32>
    tpu.vector_store %arg37[%swap3A_249, %swap3A_250], %add3A_248 {strides = array<i32>} : memref<4096x16xf32, #tpu.memory_space<vmem>>, vector<64x16xf32>,
    %get3A_252 = arith.constant 16 : index
    %get3A_253 = arith.constant 0 : index
    %get3A_254 = arith.constant 0 : index
    %get3A_255 = vector.load %arg1[%get3A_252, %get3A_253, %get3A_254] : memref<64x64x16xf32, #tpu.memory_space<vmem>>, vector<1x64x16xf32>
    %get3A_256 = vector.shape_cast %get3A_255 : vector<1x64x16xf32> to vector<64x16xf32>
    %get3A_257 = arith.constant 16 : index
    %get3A_258 = arith.constant 0 : index
    %get3A_259 = arith.constant 0 : index
    %get3A_260 = vector.load %arg2[%get3A_257, %get3A_258, %get3A_259] : memref<64x64x64xf32, #tpu.memory_space<vmem>>, vector<1x64x64xf32>
    %get3A_261 = vector.shape_cast %get3A_260 : vector<1x64x64xf32> to vector<64x64xf32>
    %dot_general3A_262 = arith.constant dense<0.000000e+00> : vector<64x16xf32>
    %dot_general3A_263 = tpu.matmul %get3A_261, %get3A_256, %dot_general3A_262 {dimension_numbers = #tpu.dot_dimension_numbers<[1], [0], [0], [1], [0, 0, 1, 1], [], []>, transpose_lhs_hint = false} : vector<64x64xf32>, vector<64x16xf32>, vector<64x16xf32> -> vector<64x16xf32>
    %add3A_264 = arith.addf %get3A_256, %dot_general3A_263 : vector<64x16xf32>
    %swap3A_265 = arith.constant 1024 : index
    %swap3A_266 = arith.constant 0 : index
    %swap3A_267 = vector.load %arg37[%swap3A_265, %swap3A_266] : memref<4096x16xf32, #tpu.memory_space<vmem>>, vector<64x16xf32>
    tpu.vector_store %arg37[%swap3A_265, %swap3A_266], %add3A_264 {strides = array<i32>} : memref<4096x16xf32, #tpu.memory_space<vmem>>, vector<64x16xf32>,
    %get3A_268 = arith.constant 17 : index
    %get3A_269 = arith.constant 0 : index
    %get3A_270 = arith.constant 0 : index
    %get3A_271 = vector.load %arg1[%get3A_268, %get3A_269, %get3A_270] : memref<64x64x16xf32, #tpu.memory_space<vmem>>, vector<1x64x16xf32>
    %get3A_272 = vector.shape_cast %get3A_271 : vector<1x64x16xf32> to vector<64x16xf32>
    %get3A_273 = arith.constant 17 : index
    %get3A_274 = arith.constant 0 : index
    %get3A_275 = arith.constant 0 : index
    %get3A_276 = vector.load %arg2[%get3A_273, %get3A_274, %get3A_275] : memref<64x64x64xf32, #tpu.memory_space<vmem>>, vector<1x64x64xf32>
    %get3A_277 = vector.shape_cast %get3A_276 : vector<1x64x64xf32> to vector<64x64xf32>
    %dot_general3A_278 = arith.constant dense<0.000000e+00> : vector<64x16xf32>
    %dot_general3A_279 = tpu.matmul %get3A_277, %get3A_272, %dot_general3A_278 {dimension_numbers = #tpu.dot_dimension_numbers<[1], [0], [0], [1], [0, 0, 1, 1], [], []>, transpose_lhs_hint = false} : vector<64x64xf32>, vector<64x16xf32>, vector<64x16xf32> -> vector<64x16xf32>
    %add3A_280 = arith.addf %get3A_272, %dot_general3A_279 : vector<64x16xf32>
    %swap3A_281 = arith.constant 1088 : index
    %swap3A_282 = arith.constant 0 : index
    %swap3A_283 = vector.load %arg37[%swap3A_281, %swap3A_282] : memref<4096x16xf32, #tpu.memory_space<vmem>>, vector<64x16xf32>
    tpu.vector_store %arg37[%swap3A_281, %swap3A_282], %add3A_280 {strides = array<i32>} : memref<4096x16xf32, #tpu.memory_space<vmem>>, vector<64x16xf32>,
    %get3A_284 = arith.constant 18 : index
    %get3A_285 = arith.constant 0 : index
    %get3A_286 = arith.constant 0 : index
    %get3A_287 = vector.load %arg1[%get3A_284, %get3A_285, %get3A_286] : memref<64x64x16xf32, #tpu.memory_space<vmem>>, vector<1x64x16xf32>
    %get3A_288 = vector.shape_cast %get3A_287 : vector<1x64x16xf32> to vector<64x16xf32>
    %get3A_289 = arith.constant 18 : index
    %get3A_290 = arith.constant 0 : index
    %get3A_291 = arith.constant 0 : index
    %get3A_292 = vector.load %arg2[%get3A_289, %get3A_290, %get3A_291] : memref<64x64x64xf32, #tpu.memory_space<vmem>>, vector<1x64x64xf32>
    %get3A_293 = vector.shape_cast %get3A_292 : vector<1x64x64xf32> to vector<64x64xf32>
    %dot_general3A_294 = arith.constant dense<0.000000e+00> : vector<64x16xf32>
    %dot_general3A_295 = tpu.matmul %get3A_293, %get3A_288, %dot_general3A_294 {dimension_numbers = #tpu.dot_dimension_numbers<[1], [0], [0], [1], [0, 0, 1, 1], [], []>, transpose_lhs_hint = false} : vector<64x64xf32>, vector<64x16xf32>, vector<64x16xf32> -> vector<64x16xf32>
    %add3A_296 = arith.addf %get3A_288, %dot_general3A_295 : vector<64x16xf32>
    %swap3A_297 = arith.constant 1152 : index
    %swap3A_298 = arith.constant 0 : index
    %swap3A_299 = vector.load %arg37[%swap3A_297, %swap3A_298] : memref<4096x16xf32, #tpu.memory_space<vmem>>, vector<64x16xf32>
    tpu.vector_store %arg37[%swap3A_297, %swap3A_298], %add3A_296 {strides = array<i32>} : memref<4096x16xf32, #tpu.memory_space<vmem>>, vector<64x16xf32>,
    %get3A_300 = arith.constant 19 : index
    %get3A_301 = arith.constant 0 : index
    %get3A_302 = arith.constant 0 : index
    %get3A_303 = vector.load %arg1[%get3A_300, %get3A_301, %get3A_302] : memref<64x64x16xf32, #tpu.memory_space<vmem>>, vector<1x64x16xf32>
    %get3A_304 = vector.shape_cast %get3A_303 : vector<1x64x16xf32> to vector<64x16xf32>
    %get3A_305 = arith.constant 19 : index
    %get3A_306 = arith.constant 0 : index
    %get3A_307 = arith.constant 0 : index
    %get3A_308 = vector.load %arg2[%get3A_305, %get3A_306, %get3A_307] : memref<64x64x64xf32, #tpu.memory_space<vmem>>, vector<1x64x64xf32>
    %get3A_309 = vector.shape_cast %get3A_308 : vector<1x64x64xf32> to vector<64x64xf32>
    %dot_general3A_310 = arith.constant dense<0.000000e+00> : vector<64x16xf32>
    %dot_general3A_311 = tpu.matmul %get3A_309, %get3A_304, %dot_general3A_310 {dimension_numbers = #tpu.dot_dimension_numbers<[1], [0], [0], [1], [0, 0, 1, 1], [], []>, transpose_lhs_hint = false} : vector<64x64xf32>, vector<64x16xf32>, vector<64x16xf32> -> vector<64x16xf32>
    %add3A_312 = arith.addf %get3A_304, %dot_general3A_311 : vector<64x16xf32>
    %swap3A_313 = arith.constant 1216 : index
    %swap3A_314 = arith.constant 0 : index
    %swap3A_315 = vector.load %arg37[%swap3A_313, %swap3A_314] : memref<4096x16xf32, #tpu.memory_space<vmem>>, vector<64x16xf32>
    tpu.vector_store %arg37[%swap3A_313, %swap3A_314], %add3A_312 {strides = array<i32>} : memref<4096x16xf32, #tpu.memory_space<vmem>>, vector<64x16xf32>,
    %get3A_316 = arith.constant 20 : index
    %get3A_317 = arith.constant 0 : index
    %get3A_318 = arith.constant 0 : index
    %get3A_319 = vector.load %arg1[%get3A_316, %get3A_317, %get3A_318] : memref<64x64x16xf32, #tpu.memory_space<vmem>>, vector<1x64x16xf32>
    %get3A_320 = vector.shape_cast %get3A_319 : vector<1x64x16xf32> to vector<64x16xf32>
    %get3A_321 = arith.constant 20 : index
    %get3A_322 = arith.constant 0 : index
    %get3A_323 = arith.constant 0 : index
    %get3A_324 = vector.load %arg2[%get3A_321, %get3A_322, %get3A_323] : memref<64x64x64xf32, #tpu.memory_space<vmem>>, vector<1x64x64xf32>
    %get3A_325 = vector.shape_cast %get3A_324 : vector<1x64x64xf32> to vector<64x64xf32>
    %dot_general3A_326 = arith.constant dense<0.000000e+00> : vector<64x16xf32>
    %dot_general3A_327 = tpu.matmul %get3A_325, %get3A_320, %dot_general3A_326 {dimension_numbers = #tpu.dot_dimension_numbers<[1], [0], [0], [1], [0, 0, 1, 1], [], []>, transpose_lhs_hint = false} : vector<64x64xf32>, vector<64x16xf32>, vector<64x16xf32> -> vector<64x16xf32>
    %add3A_328 = arith.addf %get3A_320, %dot_general3A_327 : vector<64x16xf32>
    %swap3A_329 = arith.constant 1280 : index
    %swap3A_330 = arith.constant 0 : index
    %swap3A_331 = vector.load %arg37[%swap3A_329, %swap3A_330] : memref<4096x16xf32, #tpu.memory_space<vmem>>, vector<64x16xf32>
    tpu.vector_store %arg37[%swap3A_329, %swap3A_330], %add3A_328 {strides = array<i32>} : memref<4096x16xf32, #tpu.memory_space<vmem>>, vector<64x16xf32>,
    %get3A_332 = arith.constant 21 : index
    %get3A_333 = arith.constant 0 : index
    %get3A_334 = arith.constant 0 : index
    %get3A_335 = vector.load %arg1[%get3A_332, %get3A_333, %get3A_334] : memref<64x64x16xf32, #tpu.memory_space<vmem>>, vector<1x64x16xf32>
    %get3A_336 = vector.shape_cast %get3A_335 : vector<1x64x16xf32> to vector<64x16xf32>
    %get3A_337 = arith.constant 21 : index
    %get3A_338 = arith.constant 0 : index
    %get3A_339 = arith.constant 0 : index
    %get3A_340 = vector.load %arg2[%get3A_337, %get3A_338, %get3A_339] : memref<64x64x64xf32, #tpu.memory_space<vmem>>, vector<1x64x64xf32>
    %get3A_341 = vector.shape_cast %get3A_340 : vector<1x64x64xf32> to vector<64x64xf32>
    %dot_general3A_342 = arith.constant dense<0.000000e+00> : vector<64x16xf32>
    %dot_general3A_343 = tpu.matmul %get3A_341, %get3A_336, %dot_general3A_342 {dimension_numbers = #tpu.dot_dimension_numbers<[1], [0], [0], [1], [0, 0, 1, 1], [], []>, transpose_lhs_hint = false} : vector<64x64xf32>, vector<64x16xf32>, vector<64x16xf32> -> vector<64x16xf32>
    %add3A_344 = arith.addf %get3A_336, %dot_general3A_343 : vector<64x16xf32>
    %swap3A_345 = arith.constant 1344 : index
    %swap3A_346 = arith.constant 0 : index
    %swap3A_347 = vector.load %arg37[%swap3A_345, %swap3A_346] : memref<4096x16xf32, #tpu.memory_space<vmem>>, vector<64x16xf32>
    tpu.vector_store %arg37[%swap3A_345, %swap3A_346], %add3A_344 {strides = array<i32>} : memref<4096x16xf32, #tpu.memory_space<vmem>>, vector<64x16xf32>,
    %get3A_348 = arith.constant 22 : index
    %get3A_349 = arith.constant 0 : index
    %get3A_350 = arith.constant 0 : index
    %get3A_351 = vector.load %arg1[%get3A_348, %get3A_349, %get3A_350] : memref<64x64x16xf32, #tpu.memory_space<vmem>>, vector<1x64x16xf32>
    %get3A_352 = vector.shape_cast %get3A_351 : vector<1x64x16xf32> to vector<64x16xf32>
    %get3A_353 = arith.constant 22 : index
    %get3A_354 = arith.constant 0 : index
    %get3A_355 = arith.constant 0 : index
    %get3A_356 = vector.load %arg2[%get3A_353, %get3A_354, %get3A_355] : memref<64x64x64xf32, #tpu.memory_space<vmem>>, vector<1x64x64xf32>
    %get3A_357 = vector.shape_cast %get3A_356 : vector<1x64x64xf32> to vector<64x64xf32>
    %dot_general3A_358 = arith.constant dense<0.000000e+00> : vector<64x16xf32>
    %dot_general3A_359 = tpu.matmul %get3A_357, %get3A_352, %dot_general3A_358 {dimension_numbers = #tpu.dot_dimension_numbers<[1], [0], [0], [1], [0, 0, 1, 1], [], []>, transpose_lhs_hint = false} : vector<64x64xf32>, vector<64x16xf32>, vector<64x16xf32> -> vector<64x16xf32>
    %add3A_360 = arith.addf %get3A_352, %dot_general3A_359 : vector<64x16xf32>
    %swap3A_361 = arith.constant 1408 : index
    %swap3A_362 = arith.constant 0 : index
    %swap3A_363 = vector.load %arg37[%swap3A_361, %swap3A_362] : memref<4096x16xf32, #tpu.memory_space<vmem>>, vector<64x16xf32>
    tpu.vector_store %arg37[%swap3A_361, %swap3A_362], %add3A_360 {strides = array<i32>} : memref<4096x16xf32, #tpu.memory_space<vmem>>, vector<64x16xf32>,
    %get3A_364 = arith.constant 23 : index
    %get3A_365 = arith.constant 0 : index
    %get3A_366 = arith.constant 0 : index
    %get3A_367 = vector.load %arg1[%get3A_364, %get3A_365, %get3A_366] : memref<64x64x16xf32, #tpu.memory_space<vmem>>, vector<1x64x16xf32>
    %get3A_368 = vector.shape_cast %get3A_367 : vector<1x64x16xf32> to vector<64x16xf32>
    %get3A_369 = arith.constant 23 : index
    %get3A_370 = arith.constant 0 : index
    %get3A_371 = arith.constant 0 : index
    %get3A_372 = vector.load %arg2[%get3A_369, %get3A_370, %get3A_371] : memref<64x64x64xf32, #tpu.memory_space<vmem>>, vector<1x64x64xf32>
    %get3A_373 = vector.shape_cast %get3A_372 : vector<1x64x64xf32> to vector<64x64xf32>
    %dot_general3A_374 = arith.constant dense<0.000000e+00> : vector<64x16xf32>
    %dot_general3A_375 = tpu.matmul %get3A_373, %get3A_368, %dot_general3A_374 {dimension_numbers = #tpu.dot_dimension_numbers<[1], [0], [0], [1], [0, 0, 1, 1], [], []>, transpose_lhs_hint = false} : vector<64x64xf32>, vector<64x16xf32>, vector<64x16xf32> -> vector<64x16xf32>
    %add3A_376 = arith.addf %get3A_368, %dot_general3A_375 : vector<64x16xf32>
    %swap3A_377 = arith.constant 1472 : index
    %swap3A_378 = arith.constant 0 : index
    %swap3A_379 = vector.load %arg37[%swap3A_377, %swap3A_378] : memref<4096x16xf32, #tpu.memory_space<vmem>>, vector<64x16xf32>
    tpu.vector_store %arg37[%swap3A_377, %swap3A_378], %add3A_376 {strides = array<i32>} : memref<4096x16xf32, #tpu.memory_space<vmem>>, vector<64x16xf32>,
    %get3A_380 = arith.constant 24 : index
    %get3A_381 = arith.constant 0 : index
    %get3A_382 = arith.constant 0 : index
    %get3A_383 = vector.load %arg1[%get3A_380, %get3A_381, %get3A_382] : memref<64x64x16xf32, #tpu.memory_space<vmem>>, vector<1x64x16xf32>
    %get3A_384 = vector.shape_cast %get3A_383 : vector<1x64x16xf32> to vector<64x16xf32>
    %get3A_385 = arith.constant 24 : index
    %get3A_386 = arith.constant 0 : index
    %get3A_387 = arith.constant 0 : index
    %get3A_388 = vector.load %arg2[%get3A_385, %get3A_386, %get3A_387] : memref<64x64x64xf32, #tpu.memory_space<vmem>>, vector<1x64x64xf32>
    %get3A_389 = vector.shape_cast %get3A_388 : vector<1x64x64xf32> to vector<64x64xf32>
    %dot_general3A_390 = arith.constant dense<0.000000e+00> : vector<64x16xf32>
    %dot_general3A_391 = tpu.matmul %get3A_389, %get3A_384, %dot_general3A_390 {dimension_numbers = #tpu.dot_dimension_numbers<[1], [0], [0], [1], [0, 0, 1, 1], [], []>, transpose_lhs_hint = false} : vector<64x64xf32>, vector<64x16xf32>, vector<64x16xf32> -> vector<64x16xf32>
    %add3A_392 = arith.addf %get3A_384, %dot_general3A_391 : vector<64x16xf32>
    %swap3A_393 = arith.constant 1536 : index
    %swap3A_394 = arith.constant 0 : index
    %swap3A_395 = vector.load %arg37[%swap3A_393, %swap3A_394] : memref<4096x16xf32, #tpu.memory_space<vmem>>, vector<64x16xf32>
    tpu.vector_store %arg37[%swap3A_393, %swap3A_394], %add3A_392 {strides = array<i32>} : memref<4096x16xf32, #tpu.memory_space<vmem>>, vector<64x16xf32>,
    %get3A_396 = arith.constant 25 : index
    %get3A_397 = arith.constant 0 : index
    %get3A_398 = arith.constant 0 : index
    %get3A_399 = vector.load %arg1[%get3A_396, %get3A_397, %get3A_398] : memref<64x64x16xf32, #tpu.memory_space<vmem>>, vector<1x64x16xf32>
    %get3A_400 = vector.shape_cast %get3A_399 : vector<1x64x16xf32> to vector<64x16xf32>
    %get3A_401 = arith.constant 25 : index
    %get3A_402 = arith.constant 0 : index
    %get3A_403 = arith.constant 0 : index
    %get3A_404 = vector.load %arg2[%get3A_401, %get3A_402, %get3A_403] : memref<64x64x64xf32, #tpu.memory_space<vmem>>, vector<1x64x64xf32>
    %get3A_405 = vector.shape_cast %get3A_404 : vector<1x64x64xf32> to vector<64x64xf32>
    %dot_general3A_406 = arith.constant dense<0.000000e+00> : vector<64x16xf32>
    %dot_general3A_407 = tpu.matmul %get3A_405, %get3A_400, %dot_general3A_406 {dimension_numbers = #tpu.dot_dimension_numbers<[1], [0], [0], [1], [0, 0, 1, 1], [], []>, transpose_lhs_hint = false} : vector<64x64xf32>, vector<64x16xf32>, vector<64x16xf32> -> vector<64x16xf32>
    %add3A_408 = arith.addf %get3A_400, %dot_general3A_407 : vector<64x16xf32>
    %swap3A_409 = arith.constant 1600 : index
    %swap3A_410 = arith.constant 0 : index
    %swap3A_411 = vector.load %arg37[%swap3A_409, %swap3A_410] : memref<4096x16xf32, #tpu.memory_space<vmem>>, vector<64x16xf32>
    tpu.vector_store %arg37[%swap3A_409, %swap3A_410], %add3A_408 {strides = array<i32>} : memref<4096x16xf32, #tpu.memory_space<vmem>>, vector<64x16xf32>,
    %get3A_412 = arith.constant 26 : index
    %get3A_413 = arith.constant 0 : index
    %get3A_414 = arith.constant 0 : index
    %get3A_415 = vector.load %arg1[%get3A_412, %get3A_413, %get3A_414] : memref<64x64x16xf32, #tpu.memory_space<vmem>>, vector<1x64x16xf32>
    %get3A_416 = vector.shape_cast %get3A_415 : vector<1x64x16xf32> to vector<64x16xf32>
    %get3A_417 = arith.constant 26 : index
    %get3A_418 = arith.constant 0 : index
    %get3A_419 = arith.constant 0 : index
    %get3A_420 = vector.load %arg2[%get3A_417, %get3A_418, %get3A_419] : memref<64x64x64xf32, #tpu.memory_space<vmem>>, vector<1x64x64xf32>
    %get3A_421 = vector.shape_cast %get3A_420 : vector<1x64x64xf32> to vector<64x64xf32>
    %dot_general3A_422 = arith.constant dense<0.000000e+00> : vector<64x16xf32>
    %dot_general3A_423 = tpu.matmul %get3A_421, %get3A_416, %dot_general3A_422 {dimension_numbers = #tpu.dot_dimension_numbers<[1], [0], [0], [1], [0, 0, 1, 1], [], []>, transpose_lhs_hint = false} : vector<64x64xf32>, vector<64x16xf32>, vector<64x16xf32> -> vector<64x16xf32>
    %add3A_424 = arith.addf %get3A_416, %dot_general3A_423 : vector<64x16xf32>
    %swap3A_425 = arith.constant 1664 : index
    %swap3A_426 = arith.constant 0 : index
    %swap3A_427 = vector.load %arg37[%swap3A_425, %swap3A_426] : memref<4096x16xf32, #tpu.memory_space<vmem>>, vector<64x16xf32>
    tpu.vector_store %arg37[%swap3A_425, %swap3A_426], %add3A_424 {strides = array<i32>} : memref<4096x16xf32, #tpu.memory_space<vmem>>, vector<64x16xf32>,
    %get3A_428 = arith.constant 27 : index
    %get3A_429 = arith.constant 0 : index
    %get3A_430 = arith.constant 0 : index
    %get3A_431 = vector.load %arg1[%get3A_428, %get3A_429, %get3A_430] : memref<64x64x16xf32, #tpu.memory_space<vmem>>, vector<1x64x16xf32>
    %get3A_432 = vector.shape_cast %get3A_431 : vector<1x64x16xf32> to vector<64x16xf32>
    %get3A_433 = arith.constant 27 : index
    %get3A_434 = arith.constant 0 : index
    %get3A_435 = arith.constant 0 : index
    %get3A_436 = vector.load %arg2[%get3A_433, %get3A_434, %get3A_435] : memref<64x64x64xf32, #tpu.memory_space<vmem>>, vector<1x64x64xf32>
    %get3A_437 = vector.shape_cast %get3A_436 : vector<1x64x64xf32> to vector<64x64xf32>
    %dot_general3A_438 = arith.constant dense<0.000000e+00> : vector<64x16xf32>
    %dot_general3A_439 = tpu.matmul %get3A_437, %get3A_432, %dot_general3A_438 {dimension_numbers = #tpu.dot_dimension_numbers<[1], [0], [0], [1], [0, 0, 1, 1], [], []>, transpose_lhs_hint = false} : vector<64x64xf32>, vector<64x16xf32>, vector<64x16xf32> -> vector<64x16xf32>
    %add3A_440 = arith.addf %get3A_432, %dot_general3A_439 : vector<64x16xf32>
    %swap3A_441 = arith.constant 1728 : index
    %swap3A_442 = arith.constant 0 : index
    %swap3A_443 = vector.load %arg37[%swap3A_441, %swap3A_442] : memref<4096x16xf32, #tpu.memory_space<vmem>>, vector<64x16xf32>
    tpu.vector_store %arg37[%swap3A_441, %swap3A_442], %add3A_440 {strides = array<i32>} : memref<4096x16xf32, #tpu.memory_space<vmem>>, vector<64x16xf32>,
    %get3A_444 = arith.constant 28 : index
    %get3A_445 = arith.constant 0 : index
    %get3A_446 = arith.constant 0 : index
    %get3A_447 = vector.load %arg1[%get3A_444, %get3A_445, %get3A_446] : memref<64x64x16xf32, #tpu.memory_space<vmem>>, vector<1x64x16xf32>
    %get3A_448 = vector.shape_cast %get3A_447 : vector<1x64x16xf32> to vector<64x16xf32>
    %get3A_449 = arith.constant 28 : index
    %get3A_450 = arith.constant 0 : index
    %get3A_451 = arith.constant 0 : index
    %get3A_452 = vector.load %arg2[%get3A_449, %get3A_450, %get3A_451] : memref<64x64x64xf32, #tpu.memory_space<vmem>>, vector<1x64x64xf32>
    %get3A_453 = vector.shape_cast %get3A_452 : vector<1x64x64xf32> to vector<64x64xf32>
    %dot_general3A_454 = arith.constant dense<0.000000e+00> : vector<64x16xf32>
    %dot_general3A_455 = tpu.matmul %get3A_453, %get3A_448, %dot_general3A_454 {dimension_numbers = #tpu.dot_dimension_numbers<[1], [0], [0], [1], [0, 0, 1, 1], [], []>, transpose_lhs_hint = false} : vector<64x64xf32>, vector<64x16xf32>, vector<64x16xf32> -> vector<64x16xf32>
    %add3A_456 = arith.addf %get3A_448, %dot_general3A_455 : vector<64x16xf32>
    %swap3A_457 = arith.constant 1792 : index
    %swap3A_458 = arith.constant 0 : index
    %swap3A_459 = vector.load %arg37[%swap3A_457, %swap3A_458] : memref<4096x16xf32, #tpu.memory_space<vmem>>, vector<64x16xf32>
    tpu.vector_store %arg37[%swap3A_457, %swap3A_458], %add3A_456 {strides = array<i32>} : memref<4096x16xf32, #tpu.memory_space<vmem>>, vector<64x16xf32>,
    %get3A_460 = arith.constant 29 : index
    %get3A_461 = arith.constant 0 : index
    %get3A_462 = arith.constant 0 : index
    %get3A_463 = vector.load %arg1[%get3A_460, %get3A_461, %get3A_462] : memref<64x64x16xf32, #tpu.memory_space<vmem>>, vector<1x64x16xf32>
    %get3A_464 = vector.shape_cast %get3A_463 : vector<1x64x16xf32> to vector<64x16xf32>
    %get3A_465 = arith.constant 29 : index
    %get3A_466 = arith.constant 0 : index
    %get3A_467 = arith.constant 0 : index
    %get3A_468 = vector.load %arg2[%get3A_465, %get3A_466, %get3A_467] : memref<64x64x64xf32, #tpu.memory_space<vmem>>, vector<1x64x64xf32>
    %get3A_469 = vector.shape_cast %get3A_468 : vector<1x64x64xf32> to vector<64x64xf32>
    %dot_general3A_470 = arith.constant dense<0.000000e+00> : vector<64x16xf32>
    %dot_general3A_471 = tpu.matmul %get3A_469, %get3A_464, %dot_general3A_470 {dimension_numbers = #tpu.dot_dimension_numbers<[1], [0], [0], [1], [0, 0, 1, 1], [], []>, transpose_lhs_hint = false} : vector<64x64xf32>, vector<64x16xf32>, vector<64x16xf32> -> vector<64x16xf32>
    %add3A_472 = arith.addf %get3A_464, %dot_general3A_471 : vector<64x16xf32>
    %swap3A_473 = arith.constant 1856 : index
    %swap3A_474 = arith.constant 0 : index
    %swap3A_475 = vector.load %arg37[%swap3A_473, %swap3A_474] : memref<4096x16xf32, #tpu.memory_space<vmem>>, vector<64x16xf32>
    tpu.vector_store %arg37[%swap3A_473, %swap3A_474], %add3A_472 {strides = array<i32>} : memref<4096x16xf32, #tpu.memory_space<vmem>>, vector<64x16xf32>,
    %get3A_476 = arith.constant 30 : index
    %get3A_477 = arith.constant 0 : index
    %get3A_478 = arith.constant 0 : index
    %get3A_479 = vector.load %arg1[%get3A_476, %get3A_477, %get3A_478] : memref<64x64x16xf32, #tpu.memory_space<vmem>>, vector<1x64x16xf32>
    %get3A_480 = vector.shape_cast %get3A_479 : vector<1x64x16xf32> to vector<64x16xf32>
    %get3A_481 = arith.constant 30 : index
    %get3A_482 = arith.constant 0 : index
    %get3A_483 = arith.constant 0 : index
    %get3A_484 = vector.load %arg2[%get3A_481, %get3A_482, %get3A_483] : memref<64x64x64xf32, #tpu.memory_space<vmem>>, vector<1x64x64xf32>
    %get3A_485 = vector.shape_cast %get3A_484 : vector<1x64x64xf32> to vector<64x64xf32>
    %dot_general3A_486 = arith.constant dense<0.000000e+00> : vector<64x16xf32>
    %dot_general3A_487 = tpu.matmul %get3A_485, %get3A_480, %dot_general3A_486 {dimension_numbers = #tpu.dot_dimension_numbers<[1], [0], [0], [1], [0, 0, 1, 1], [], []>, transpose_lhs_hint = false} : vector<64x64xf32>, vector<64x16xf32>, vector<64x16xf32> -> vector<64x16xf32>
    %add3A_488 = arith.addf %get3A_480, %dot_general3A_487 : vector<64x16xf32>
    %swap3A_489 = arith.constant 1920 : index
    %swap3A_490 = arith.constant 0 : index
    %swap3A_491 = vector.load %arg37[%swap3A_489, %swap3A_490] : memref<4096x16xf32, #tpu.memory_space<vmem>>, vector<64x16xf32>
    tpu.vector_store %arg37[%swap3A_489, %swap3A_490], %add3A_488 {strides = array<i32>} : memref<4096x16xf32, #tpu.memory_space<vmem>>, vector<64x16xf32>,
    %get3A_492 = arith.constant 31 : index
    %get3A_493 = arith.constant 0 : index
    %get3A_494 = arith.constant 0 : index
    %get3A_495 = vector.load %arg1[%get3A_492, %get3A_493, %get3A_494] : memref<64x64x16xf32, #tpu.memory_space<vmem>>, vector<1x64x16xf32>
    %get3A_496 = vector.shape_cast %get3A_495 : vector<1x64x16xf32> to vector<64x16xf32>
    %get3A_497 = arith.constant 31 : index
    %get3A_498 = arith.constant 0 : index
    %get3A_499 = arith.constant 0 : index
    %get3A_500 = vector.load %arg2[%get3A_497, %get3A_498, %get3A_499] : memref<64x64x64xf32, #tpu.memory_space<vmem>>, vector<1x64x64xf32>
    %get3A_501 = vector.shape_cast %get3A_500 : vector<1x64x64xf32> to vector<64x64xf32>
    %dot_general3A_502 = arith.constant dense<0.000000e+00> : vector<64x16xf32>
    %dot_general3A_503 = tpu.matmul %get3A_501, %get3A_496, %dot_general3A_502 {dimension_numbers = #tpu.dot_dimension_numbers<[1], [0], [0], [1], [0, 0, 1, 1], [], []>, transpose_lhs_hint = false} : vector<64x64xf32>, vector<64x16xf32>, vector<64x16xf32> -> vector<64x16xf32>
    %add3A_504 = arith.addf %get3A_496, %dot_general3A_503 : vector<64x16xf32>
    %swap3A_505 = arith.constant 1984 : index
    %swap3A_506 = arith.constant 0 : index
    %swap3A_507 = vector.load %arg37[%swap3A_505, %swap3A_506] : memref<4096x16xf32, #tpu.memory_space<vmem>>, vector<64x16xf32>
    tpu.vector_store %arg37[%swap3A_505, %swap3A_506], %add3A_504 {strides = array<i32>} : memref<4096x16xf32, #tpu.memory_space<vmem>>, vector<64x16xf32>,
    %get3A_508 = arith.constant 32 : index
    %get3A_509 = arith.constant 0 : index
    %get3A_510 = arith.constant 0 : index
    %get3A_511 = vector.load %arg1[%get3A_508, %get3A_509, %get3A_510] : memref<64x64x16xf32, #tpu.memory_space<vmem>>, vector<1x64x16xf32>
    %get3A_512 = vector.shape_cast %get3A_511 : vector<1x64x16xf32> to vector<64x16xf32>
    %get3A_513 = arith.constant 32 : index
    %get3A_514 = arith.constant 0 : index
    %get3A_515 = arith.constant 0 : index
    %get3A_516 = vector.load %arg2[%get3A_513, %get3A_514, %get3A_515] : memref<64x64x64xf32, #tpu.memory_space<vmem>>, vector<1x64x64xf32>
    %get3A_517 = vector.shape_cast %get3A_516 : vector<1x64x64xf32> to vector<64x64xf32>
    %dot_general3A_518 = arith.constant dense<0.000000e+00> : vector<64x16xf32>
    %dot_general3A_519 = tpu.matmul %get3A_517, %get3A_512, %dot_general3A_518 {dimension_numbers = #tpu.dot_dimension_numbers<[1], [0], [0], [1], [0, 0, 1, 1], [], []>, transpose_lhs_hint = false} : vector<64x64xf32>, vector<64x16xf32>, vector<64x16xf32> -> vector<64x16xf32>
    %add3A_520 = arith.addf %get3A_512, %dot_general3A_519 : vector<64x16xf32>
    %swap3A_521 = arith.constant 2048 : index
    %swap3A_522 = arith.constant 0 : index
    %swap3A_523 = vector.load %arg37[%swap3A_521, %swap3A_522] : memref<4096x16xf32, #tpu.memory_space<vmem>>, vector<64x16xf32>
    tpu.vector_store %arg37[%swap3A_521, %swap3A_522], %add3A_520 {strides = array<i32>} : memref<4096x16xf32, #tpu.memory_space<vmem>>, vector<64x16xf32>,
    %get3A_524 = arith.constant 33 : index
    %get3A_525 = arith.constant 0 : index
    %get3A_526 = arith.constant 0 : index
    %get3A_527 = vector.load %arg1[%get3A_524, %get3A_525, %get3A_526] : memref<64x64x16xf32, #tpu.memory_space<vmem>>, vector<1x64x16xf32>
    %get3A_528 = vector.shape_cast %get3A_527 : vector<1x64x16xf32> to vector<64x16xf32>
    %get3A_529 = arith.constant 33 : index
    %get3A_530 = arith.constant 0 : index
    %get3A_531 = arith.constant 0 : index
    %get3A_532 = vector.load %arg2[%get3A_529, %get3A_530, %get3A_531] : memref<64x64x64xf32, #tpu.memory_space<vmem>>, vector<1x64x64xf32>
    %get3A_533 = vector.shape_cast %get3A_532 : vector<1x64x64xf32> to vector<64x64xf32>
    %dot_general3A_534 = arith.constant dense<0.000000e+00> : vector<64x16xf32>
    %dot_general3A_535 = tpu.matmul %get3A_533, %get3A_528, %dot_general3A_534 {dimension_numbers = #tpu.dot_dimension_numbers<[1], [0], [0], [1], [0, 0, 1, 1], [], []>, transpose_lhs_hint = false} : vector<64x64xf32>, vector<64x16xf32>, vector<64x16xf32> -> vector<64x16xf32>
    %add3A_536 = arith.addf %get3A_528, %dot_general3A_535 : vector<64x16xf32>
    %swap3A_537 = arith.constant 2112 : index
    %swap3A_538 = arith.constant 0 : index
    %swap3A_539 = vector.load %arg37[%swap3A_537, %swap3A_538] : memref<4096x16xf32, #tpu.memory_space<vmem>>, vector<64x16xf32>
    tpu.vector_store %arg37[%swap3A_537, %swap3A_538], %add3A_536 {strides = array<i32>} : memref<4096x16xf32, #tpu.memory_space<vmem>>, vector<64x16xf32>,
    %get3A_540 = arith.constant 34 : index
    %get3A_541 = arith.constant 0 : index
    %get3A_542 = arith.constant 0 : index
    %get3A_543 = vector.load %arg1[%get3A_540, %get3A_541, %get3A_542] : memref<64x64x16xf32, #tpu.memory_space<vmem>>, vector<1x64x16xf32>
    %get3A_544 = vector.shape_cast %get3A_543 : vector<1x64x16xf32> to vector<64x16xf32>
    %get3A_545 = arith.constant 34 : index
    %get3A_546 = arith.constant 0 : index
    %get3A_547 = arith.constant 0 : index
    %get3A_548 = vector.load %arg2[%get3A_545, %get3A_546, %get3A_547] : memref<64x64x64xf32, #tpu.memory_space<vmem>>, vector<1x64x64xf32>
    %get3A_549 = vector.shape_cast %get3A_548 : vector<1x64x64xf32> to vector<64x64xf32>
    %dot_general3A_550 = arith.constant dense<0.000000e+00> : vector<64x16xf32>
    %dot_general3A_551 = tpu.matmul %get3A_549, %get3A_544, %dot_general3A_550 {dimension_numbers = #tpu.dot_dimension_numbers<[1], [0], [0], [1], [0, 0, 1, 1], [], []>, transpose_lhs_hint = false} : vector<64x64xf32>, vector<64x16xf32>, vector<64x16xf32> -> vector<64x16xf32>
    %add3A_552 = arith.addf %get3A_544, %dot_general3A_551 : vector<64x16xf32>
    %swap3A_553 = arith.constant 2176 : index
    %swap3A_554 = arith.constant 0 : index
    %swap3A_555 = vector.load %arg37[%swap3A_553, %swap3A_554] : memref<4096x16xf32, #tpu.memory_space<vmem>>, vector<64x16xf32>
    tpu.vector_store %arg37[%swap3A_553, %swap3A_554], %add3A_552 {strides = array<i32>} : memref<4096x16xf32, #tpu.memory_space<vmem>>, vector<64x16xf32>,
    %get3A_556 = arith.constant 35 : index
    %get3A_557 = arith.constant 0 : index
    %get3A_558 = arith.constant 0 : index
    %get3A_559 = vector.load %arg1[%get3A_556, %get3A_557, %get3A_558] : memref<64x64x16xf32, #tpu.memory_space<vmem>>, vector<1x64x16xf32>
    %get3A_560 = vector.shape_cast %get3A_559 : vector<1x64x16xf32> to vector<64x16xf32>
    %get3A_561 = arith.constant 35 : index
    %get3A_562 = arith.constant 0 : index
    %get3A_563 = arith.constant 0 : index
    %get3A_564 = vector.load %arg2[%get3A_561, %get3A_562, %get3A_563] : memref<64x64x64xf32, #tpu.memory_space<vmem>>, vector<1x64x64xf32>
    %get3A_565 = vector.shape_cast %get3A_564 : vector<1x64x64xf32> to vector<64x64xf32>
    %dot_general3A_566 = arith.constant dense<0.000000e+00> : vector<64x16xf32>
    %dot_general3A_567 = tpu.matmul %get3A_565, %get3A_560, %dot_general3A_566 {dimension_numbers = #tpu.dot_dimension_numbers<[1], [0], [0], [1], [0, 0, 1, 1], [], []>, transpose_lhs_hint = false} : vector<64x64xf32>, vector<64x16xf32>, vector<64x16xf32> -> vector<64x16xf32>
    %add3A_568 = arith.addf %get3A_560, %dot_general3A_567 : vector<64x16xf32>
    %swap3A_569 = arith.constant 2240 : index
    %swap3A_570 = arith.constant 0 : index
    %swap3A_571 = vector.load %arg37[%swap3A_569, %swap3A_570] : memref<4096x16xf32, #tpu.memory_space<vmem>>, vector<64x16xf32>
    tpu.vector_store %arg37[%swap3A_569, %swap3A_570], %add3A_568 {strides = array<i32>} : memref<4096x16xf32, #tpu.memory_space<vmem>>, vector<64x16xf32>,
    %get3A_572 = arith.constant 36 : index
    %get3A_573 = arith.constant 0 : index
    %get3A_574 = arith.constant 0 : index
    %get3A_575 = vector.load %arg1[%get3A_572, %get3A_573, %get3A_574] : memref<64x64x16xf32, #tpu.memory_space<vmem>>, vector<1x64x16xf32>
    %get3A_576 = vector.shape_cast %get3A_575 : vector<1x64x16xf32> to vector<64x16xf32>
    %get3A_577 = arith.constant 36 : index
    %get3A_578 = arith.constant 0 : index
    %get3A_579 = arith.constant 0 : index
    %get3A_580 = vector.load %arg2[%get3A_577, %get3A_578, %get3A_579] : memref<64x64x64xf32, #tpu.memory_space<vmem>>, vector<1x64x64xf32>
    %get3A_581 = vector.shape_cast %get3A_580 : vector<1x64x64xf32> to vector<64x64xf32>
    %dot_general3A_582 = arith.constant dense<0.000000e+00> : vector<64x16xf32>
    %dot_general3A_583 = tpu.matmul %get3A_581, %get3A_576, %dot_general3A_582 {dimension_numbers = #tpu.dot_dimension_numbers<[1], [0], [0], [1], [0, 0, 1, 1], [], []>, transpose_lhs_hint = false} : vector<64x64xf32>, vector<64x16xf32>, vector<64x16xf32> -> vector<64x16xf32>
    %add3A_584 = arith.addf %get3A_576, %dot_general3A_583 : vector<64x16xf32>
    %swap3A_585 = arith.constant 2304 : index
    %swap3A_586 = arith.constant 0 : index
    %swap3A_587 = vector.load %arg37[%swap3A_585, %swap3A_586] : memref<4096x16xf32, #tpu.memory_space<vmem>>, vector<64x16xf32>
    tpu.vector_store %arg37[%swap3A_585, %swap3A_586], %add3A_584 {strides = array<i32>} : memref<4096x16xf32, #tpu.memory_space<vmem>>, vector<64x16xf32>,
    %get3A_588 = arith.constant 37 : index
    %get3A_589 = arith.constant 0 : index
    %get3A_590 = arith.constant 0 : index
    %get3A_591 = vector.load %arg1[%get3A_588, %get3A_589, %get3A_590] : memref<64x64x16xf32, #tpu.memory_space<vmem>>, vector<1x64x16xf32>
    %get3A_592 = vector.shape_cast %get3A_591 : vector<1x64x16xf32> to vector<64x16xf32>
    %get3A_593 = arith.constant 37 : index
    %get3A_594 = arith.constant 0 : index
    %get3A_595 = arith.constant 0 : index
    %get3A_596 = vector.load %arg2[%get3A_593, %get3A_594, %get3A_595] : memref<64x64x64xf32, #tpu.memory_space<vmem>>, vector<1x64x64xf32>
    %get3A_597 = vector.shape_cast %get3A_596 : vector<1x64x64xf32> to vector<64x64xf32>
    %dot_general3A_598 = arith.constant dense<0.000000e+00> : vector<64x16xf32>
    %dot_general3A_599 = tpu.matmul %get3A_597, %get3A_592, %dot_general3A_598 {dimension_numbers = #tpu.dot_dimension_numbers<[1], [0], [0], [1], [0, 0, 1, 1], [], []>, transpose_lhs_hint = false} : vector<64x64xf32>, vector<64x16xf32>, vector<64x16xf32> -> vector<64x16xf32>
    %add3A_600 = arith.addf %get3A_592, %dot_general3A_599 : vector<64x16xf32>
    %swap3A_601 = arith.constant 2368 : index
    %swap3A_602 = arith.constant 0 : index
    %swap3A_603 = vector.load %arg37[%swap3A_601, %swap3A_602] : memref<4096x16xf32, #tpu.memory_space<vmem>>, vector<64x16xf32>
    tpu.vector_store %arg37[%swap3A_601, %swap3A_602], %add3A_600 {strides = array<i32>} : memref<4096x16xf32, #tpu.memory_space<vmem>>, vector<64x16xf32>,
    %get3A_604 = arith.constant 38 : index
    %get3A_605 = arith.constant 0 : index
    %get3A_606 = arith.constant 0 : index
    %get3A_607 = vector.load %arg1[%get3A_604, %get3A_605, %get3A_606] : memref<64x64x16xf32, #tpu.memory_space<vmem>>, vector<1x64x16xf32>
    %get3A_608 = vector.shape_cast %get3A_607 : vector<1x64x16xf32> to vector<64x16xf32>
    %get3A_609 = arith.constant 38 : index
    %get3A_610 = arith.constant 0 : index
    %get3A_611 = arith.constant 0 : index
    %get3A_612 = vector.load %arg2[%get3A_609, %get3A_610, %get3A_611] : memref<64x64x64xf32, #tpu.memory_space<vmem>>, vector<1x64x64xf32>
    %get3A_613 = vector.shape_cast %get3A_612 : vector<1x64x64xf32> to vector<64x64xf32>
    %dot_general3A_614 = arith.constant dense<0.000000e+00> : vector<64x16xf32>
    %dot_general3A_615 = tpu.matmul %get3A_613, %get3A_608, %dot_general3A_614 {dimension_numbers = #tpu.dot_dimension_numbers<[1], [0], [0], [1], [0, 0, 1, 1], [], []>, transpose_lhs_hint = false} : vector<64x64xf32>, vector<64x16xf32>, vector<64x16xf32> -> vector<64x16xf32>
    %add3A_616 = arith.addf %get3A_608, %dot_general3A_615 : vector<64x16xf32>
    %swap3A_617 = arith.constant 2432 : index
    %swap3A_618 = arith.constant 0 : index
    %swap3A_619 = vector.load %arg37[%swap3A_617, %swap3A_618] : memref<4096x16xf32, #tpu.memory_space<vmem>>, vector<64x16xf32>
    tpu.vector_store %arg37[%swap3A_617, %swap3A_618], %add3A_616 {strides = array<i32>} : memref<4096x16xf32, #tpu.memory_space<vmem>>, vector<64x16xf32>,
    %get3A_620 = arith.constant 39 : index
    %get3A_621 = arith.constant 0 : index
    %get3A_622 = arith.constant 0 : index
    %get3A_623 = vector.load %arg1[%get3A_620, %get3A_621, %get3A_622] : memref<64x64x16xf32, #tpu.memory_space<vmem>>, vector<1x64x16xf32>
    %get3A_624 = vector.shape_cast %get3A_623 : vector<1x64x16xf32> to vector<64x16xf32>
    %get3A_625 = arith.constant 39 : index
    %get3A_626 = arith.constant 0 : index
    %get3A_627 = arith.constant 0 : index
    %get3A_628 = vector.load %arg2[%get3A_625, %get3A_626, %get3A_627] : memref<64x64x64xf32, #tpu.memory_space<vmem>>, vector<1x64x64xf32>
    %get3A_629 = vector.shape_cast %get3A_628 : vector<1x64x64xf32> to vector<64x64xf32>
    %dot_general3A_630 = arith.constant dense<0.000000e+00> : vector<64x16xf32>
    %dot_general3A_631 = tpu.matmul %get3A_629, %get3A_624, %dot_general3A_630 {dimension_numbers = #tpu.dot_dimension_numbers<[1], [0], [0], [1], [0, 0, 1, 1], [], []>, transpose_lhs_hint = false} : vector<64x64xf32>, vector<64x16xf32>, vector<64x16xf32> -> vector<64x16xf32>
    %add3A_632 = arith.addf %get3A_624, %dot_general3A_631 : vector<64x16xf32>
    %swap3A_633 = arith.constant 2496 : index
    %swap3A_634 = arith.constant 0 : index
    %swap3A_635 = vector.load %arg37[%swap3A_633, %swap3A_634] : memref<4096x16xf32, #tpu.memory_space<vmem>>, vector<64x16xf32>
    tpu.vector_store %arg37[%swap3A_633, %swap3A_634], %add3A_632 {strides = array<i32>} : memref<4096x16xf32, #tpu.memory_space<vmem>>, vector<64x16xf32>,
    %get3A_636 = arith.constant 40 : index
    %get3A_637 = arith.constant 0 : index
    %get3A_638 = arith.constant 0 : index
    %get3A_639 = vector.load %arg1[%get3A_636, %get3A_637, %get3A_638] : memref<64x64x16xf32, #tpu.memory_space<vmem>>, vector<1x64x16xf32>
    %get3A_640 = vector.shape_cast %get3A_639 : vector<1x64x16xf32> to vector<64x16xf32>
    %get3A_641 = arith.constant 40 : index
    %get3A_642 = arith.constant 0 : index
    %get3A_643 = arith.constant 0 : index
    %get3A_644 = vector.load %arg2[%get3A_641, %get3A_642, %get3A_643] : memref<64x64x64xf32, #tpu.memory_space<vmem>>, vector<1x64x64xf32>
    %get3A_645 = vector.shape_cast %get3A_644 : vector<1x64x64xf32> to vector<64x64xf32>
    %dot_general3A_646 = arith.constant dense<0.000000e+00> : vector<64x16xf32>
    %dot_general3A_647 = tpu.matmul %get3A_645, %get3A_640, %dot_general3A_646 {dimension_numbers = #tpu.dot_dimension_numbers<[1], [0], [0], [1], [0, 0, 1, 1], [], []>, transpose_lhs_hint = false} : vector<64x64xf32>, vector<64x16xf32>, vector<64x16xf32> -> vector<64x16xf32>
    %add3A_648 = arith.addf %get3A_640, %dot_general3A_647 : vector<64x16xf32>
    %swap3A_649 = arith.constant 2560 : index
    %swap3A_650 = arith.constant 0 : index
    %swap3A_651 = vector.load %arg37[%swap3A_649, %swap3A_650] : memref<4096x16xf32, #tpu.memory_space<vmem>>, vector<64x16xf32>
    tpu.vector_store %arg37[%swap3A_649, %swap3A_650], %add3A_648 {strides = array<i32>} : memref<4096x16xf32, #tpu.memory_space<vmem>>, vector<64x16xf32>,
    %get3A_652 = arith.constant 41 : index
    %get3A_653 = arith.constant 0 : index
    %get3A_654 = arith.constant 0 : index
    %get3A_655 = vector.load %arg1[%get3A_652, %get3A_653, %get3A_654] : memref<64x64x16xf32, #tpu.memory_space<vmem>>, vector<1x64x16xf32>
    %get3A_656 = vector.shape_cast %get3A_655 : vector<1x64x16xf32> to vector<64x16xf32>
    %get3A_657 = arith.constant 41 : index
    %get3A_658 = arith.constant 0 : index
    %get3A_659 = arith.constant 0 : index
    %get3A_660 = vector.load %arg2[%get3A_657, %get3A_658, %get3A_659] : memref<64x64x64xf32, #tpu.memory_space<vmem>>, vector<1x64x64xf32>
    %get3A_661 = vector.shape_cast %get3A_660 : vector<1x64x64xf32> to vector<64x64xf32>
    %dot_general3A_662 = arith.constant dense<0.000000e+00> : vector<64x16xf32>
    %dot_general3A_663 = tpu.matmul %get3A_661, %get3A_656, %dot_general3A_662 {dimension_numbers = #tpu.dot_dimension_numbers<[1], [0], [0], [1], [0, 0, 1, 1], [], []>, transpose_lhs_hint = false} : vector<64x64xf32>, vector<64x16xf32>, vector<64x16xf32> -> vector<64x16xf32>
    %add3A_664 = arith.addf %get3A_656, %dot_general3A_663 : vector<64x16xf32>
    %swap3A_665 = arith.constant 2624 : index
    %swap3A_666 = arith.constant 0 : index
    %swap3A_667 = vector.load %arg37[%swap3A_665, %swap3A_666] : memref<4096x16xf32, #tpu.memory_space<vmem>>, vector<64x16xf32>
    tpu.vector_store %arg37[%swap3A_665, %swap3A_666], %add3A_664 {strides = array<i32>} : memref<4096x16xf32, #tpu.memory_space<vmem>>, vector<64x16xf32>,
    %get3A_668 = arith.constant 42 : index
    %get3A_669 = arith.constant 0 : index
    %get3A_670 = arith.constant 0 : index
    %get3A_671 = vector.load %arg1[%get3A_668, %get3A_669, %get3A_670] : memref<64x64x16xf32, #tpu.memory_space<vmem>>, vector<1x64x16xf32>
    %get3A_672 = vector.shape_cast %get3A_671 : vector<1x64x16xf32> to vector<64x16xf32>
    %get3A_673 = arith.constant 42 : index
    %get3A_674 = arith.constant 0 : index
    %get3A_675 = arith.constant 0 : index
    %get3A_676 = vector.load %arg2[%get3A_673, %get3A_674, %get3A_675] : memref<64x64x64xf32, #tpu.memory_space<vmem>>, vector<1x64x64xf32>
    %get3A_677 = vector.shape_cast %get3A_676 : vector<1x64x64xf32> to vector<64x64xf32>
    %dot_general3A_678 = arith.constant dense<0.000000e+00> : vector<64x16xf32>
    %dot_general3A_679 = tpu.matmul %get3A_677, %get3A_672, %dot_general3A_678 {dimension_numbers = #tpu.dot_dimension_numbers<[1], [0], [0], [1], [0, 0, 1, 1], [], []>, transpose_lhs_hint = false} : vector<64x64xf32>, vector<64x16xf32>, vector<64x16xf32> -> vector<64x16xf32>
    %add3A_680 = arith.addf %get3A_672, %dot_general3A_679 : vector<64x16xf32>
    %swap3A_681 = arith.constant 2688 : index
    %swap3A_682 = arith.constant 0 : index
    %swap3A_683 = vector.load %arg37[%swap3A_681, %swap3A_682] : memref<4096x16xf32, #tpu.memory_space<vmem>>, vector<64x16xf32>
    tpu.vector_store %arg37[%swap3A_681, %swap3A_682], %add3A_680 {strides = array<i32>} : memref<4096x16xf32, #tpu.memory_space<vmem>>, vector<64x16xf32>,
    %get3A_684 = arith.constant 43 : index
    %get3A_685 = arith.constant 0 : index
    %get3A_686 = arith.constant 0 : index
    %get3A_687 = vector.load %arg1[%get3A_684, %get3A_685, %get3A_686] : memref<64x64x16xf32, #tpu.memory_space<vmem>>, vector<1x64x16xf32>
    %get3A_688 = vector.shape_cast %get3A_687 : vector<1x64x16xf32> to vector<64x16xf32>
    %get3A_689 = arith.constant 43 : index
    %get3A_690 = arith.constant 0 : index
    %get3A_691 = arith.constant 0 : index
    %get3A_692 = vector.load %arg2[%get3A_689, %get3A_690, %get3A_691] : memref<64x64x64xf32, #tpu.memory_space<vmem>>, vector<1x64x64xf32>
    %get3A_693 = vector.shape_cast %get3A_692 : vector<1x64x64xf32> to vector<64x64xf32>
    %dot_general3A_694 = arith.constant dense<0.000000e+00> : vector<64x16xf32>
    %dot_general3A_695 = tpu.matmul %get3A_693, %get3A_688, %dot_general3A_694 {dimension_numbers = #tpu.dot_dimension_numbers<[1], [0], [0], [1], [0, 0, 1, 1], [], []>, transpose_lhs_hint = false} : vector<64x64xf32>, vector<64x16xf32>, vector<64x16xf32> -> vector<64x16xf32>
    %add3A_696 = arith.addf %get3A_688, %dot_general3A_695 : vector<64x16xf32>
    %swap3A_697 = arith.constant 2752 : index
    %swap3A_698 = arith.constant 0 : index
    %swap3A_699 = vector.load %arg37[%swap3A_697, %swap3A_698] : memref<4096x16xf32, #tpu.memory_space<vmem>>, vector<64x16xf32>
    tpu.vector_store %arg37[%swap3A_697, %swap3A_698], %add3A_696 {strides = array<i32>} : memref<4096x16xf32, #tpu.memory_space<vmem>>, vector<64x16xf32>,
    %get3A_700 = arith.constant 44 : index
    %get3A_701 = arith.constant 0 : index
    %get3A_702 = arith.constant 0 : index
    %get3A_703 = vector.load %arg1[%get3A_700, %get3A_701, %get3A_702] : memref<64x64x16xf32, #tpu.memory_space<vmem>>, vector<1x64x16xf32>
    %get3A_704 = vector.shape_cast %get3A_703 : vector<1x64x16xf32> to vector<64x16xf32>
    %get3A_705 = arith.constant 44 : index
    %get3A_706 = arith.constant 0 : index
    %get3A_707 = arith.constant 0 : index
    %get3A_708 = vector.load %arg2[%get3A_705, %get3A_706, %get3A_707] : memref<64x64x64xf32, #tpu.memory_space<vmem>>, vector<1x64x64xf32>
    %get3A_709 = vector.shape_cast %get3A_708 : vector<1x64x64xf32> to vector<64x64xf32>
    %dot_general3A_710 = arith.constant dense<0.000000e+00> : vector<64x16xf32>
    %dot_general3A_711 = tpu.matmul %get3A_709, %get3A_704, %dot_general3A_710 {dimension_numbers = #tpu.dot_dimension_numbers<[1], [0], [0], [1], [0, 0, 1, 1], [], []>, transpose_lhs_hint = false} : vector<64x64xf32>, vector<64x16xf32>, vector<64x16xf32> -> vector<64x16xf32>
    %add3A_712 = arith.addf %get3A_704, %dot_general3A_711 : vector<64x16xf32>
    %swap3A_713 = arith.constant 2816 : index
    %swap3A_714 = arith.constant 0 : index
    %swap3A_715 = vector.load %arg37[%swap3A_713, %swap3A_714] : memref<4096x16xf32, #tpu.memory_space<vmem>>, vector<64x16xf32>
    tpu.vector_store %arg37[%swap3A_713, %swap3A_714], %add3A_712 {strides = array<i32>} : memref<4096x16xf32, #tpu.memory_space<vmem>>, vector<64x16xf32>,
    %get3A_716 = arith.constant 45 : index
    %get3A_717 = arith.constant 0 : index
    %get3A_718 = arith.constant 0 : index
    %get3A_719 = vector.load %arg1[%get3A_716, %get3A_717, %get3A_718] : memref<64x64x16xf32, #tpu.memory_space<vmem>>, vector<1x64x16xf32>
    %get3A_720 = vector.shape_cast %get3A_719 : vector<1x64x16xf32> to vector<64x16xf32>
    %get3A_721 = arith.constant 45 : index
    %get3A_722 = arith.constant 0 : index
    %get3A_723 = arith.constant 0 : index
    %get3A_724 = vector.load %arg2[%get3A_721, %get3A_722, %get3A_723] : memref<64x64x64xf32, #tpu.memory_space<vmem>>, vector<1x64x64xf32>
    %get3A_725 = vector.shape_cast %get3A_724 : vector<1x64x64xf32> to vector<64x64xf32>
    %dot_general3A_726 = arith.constant dense<0.000000e+00> : vector<64x16xf32>
    %dot_general3A_727 = tpu.matmul %get3A_725, %get3A_720, %dot_general3A_726 {dimension_numbers = #tpu.dot_dimension_numbers<[1], [0], [0], [1], [0, 0, 1, 1], [], []>, transpose_lhs_hint = false} : vector<64x64xf32>, vector<64x16xf32>, vector<64x16xf32> -> vector<64x16xf32>
    %add3A_728 = arith.addf %get3A_720, %dot_general3A_727 : vector<64x16xf32>
    %swap3A_729 = arith.constant 2880 : index
    %swap3A_730 = arith.constant 0 : index
    %swap3A_731 = vector.load %arg37[%swap3A_729, %swap3A_730] : memref<4096x16xf32, #tpu.memory_space<vmem>>, vector<64x16xf32>
    tpu.vector_store %arg37[%swap3A_729, %swap3A_730], %add3A_728 {strides = array<i32>} : memref<4096x16xf32, #tpu.memory_space<vmem>>, vector<64x16xf32>,
    %get3A_732 = arith.constant 46 : index
    %get3A_733 = arith.constant 0 : index
    %get3A_734 = arith.constant 0 : index
    %get3A_735 = vector.load %arg1[%get3A_732, %get3A_733, %get3A_734] : memref<64x64x16xf32, #tpu.memory_space<vmem>>, vector<1x64x16xf32>
    %get3A_736 = vector.shape_cast %get3A_735 : vector<1x64x16xf32> to vector<64x16xf32>
    %get3A_737 = arith.constant 46 : index
    %get3A_738 = arith.constant 0 : index
    %get3A_739 = arith.constant 0 : index
    %get3A_740 = vector.load %arg2[%get3A_737, %get3A_738, %get3A_739] : memref<64x64x64xf32, #tpu.memory_space<vmem>>, vector<1x64x64xf32>
    %get3A_741 = vector.shape_cast %get3A_740 : vector<1x64x64xf32> to vector<64x64xf32>
    %dot_general3A_742 = arith.constant dense<0.000000e+00> : vector<64x16xf32>
    %dot_general3A_743 = tpu.matmul %get3A_741, %get3A_736, %dot_general3A_742 {dimension_numbers = #tpu.dot_dimension_numbers<[1], [0], [0], [1], [0, 0, 1, 1], [], []>, transpose_lhs_hint = false} : vector<64x64xf32>, vector<64x16xf32>, vector<64x16xf32> -> vector<64x16xf32>
    %add3A_744 = arith.addf %get3A_736, %dot_general3A_743 : vector<64x16xf32>
    %swap3A_745 = arith.constant 2944 : index
    %swap3A_746 = arith.constant 0 : index
    %swap3A_747 = vector.load %arg37[%swap3A_745, %swap3A_746] : memref<4096x16xf32, #tpu.memory_space<vmem>>, vector<64x16xf32>
    tpu.vector_store %arg37[%swap3A_745, %swap3A_746], %add3A_744 {strides = array<i32>} : memref<4096x16xf32, #tpu.memory_space<vmem>>, vector<64x16xf32>,
    %get3A_748 = arith.constant 47 : index
    %get3A_749 = arith.constant 0 : index
    %get3A_750 = arith.constant 0 : index
    %get3A_751 = vector.load %arg1[%get3A_748, %get3A_749, %get3A_750] : memref<64x64x16xf32, #tpu.memory_space<vmem>>, vector<1x64x16xf32>
    %get3A_752 = vector.shape_cast %get3A_751 : vector<1x64x16xf32> to vector<64x16xf32>
    %get3A_753 = arith.constant 47 : index
    %get3A_754 = arith.constant 0 : index
    %get3A_755 = arith.constant 0 : index
    %get3A_756 = vector.load %arg2[%get3A_753, %get3A_754, %get3A_755] : memref<64x64x64xf32, #tpu.memory_space<vmem>>, vector<1x64x64xf32>
    %get3A_757 = vector.shape_cast %get3A_756 : vector<1x64x64xf32> to vector<64x64xf32>
    %dot_general3A_758 = arith.constant dense<0.000000e+00> : vector<64x16xf32>
    %dot_general3A_759 = tpu.matmul %get3A_757, %get3A_752, %dot_general3A_758 {dimension_numbers = #tpu.dot_dimension_numbers<[1], [0], [0], [1], [0, 0, 1, 1], [], []>, transpose_lhs_hint = false} : vector<64x64xf32>, vector<64x16xf32>, vector<64x16xf32> -> vector<64x16xf32>
    %add3A_760 = arith.addf %get3A_752, %dot_general3A_759 : vector<64x16xf32>
    %swap3A_761 = arith.constant 3008 : index
    %swap3A_762 = arith.constant 0 : index
    %swap3A_763 = vector.load %arg37[%swap3A_761, %swap3A_762] : memref<4096x16xf32, #tpu.memory_space<vmem>>, vector<64x16xf32>
    tpu.vector_store %arg37[%swap3A_761, %swap3A_762], %add3A_760 {strides = array<i32>} : memref<4096x16xf32, #tpu.memory_space<vmem>>, vector<64x16xf32>,
    %get3A_764 = arith.constant 48 : index
    %get3A_765 = arith.constant 0 : index
    %get3A_766 = arith.constant 0 : index
    %get3A_767 = vector.load %arg1[%get3A_764, %get3A_765, %get3A_766] : memref<64x64x16xf32, #tpu.memory_space<vmem>>, vector<1x64x16xf32>
    %get3A_768 = vector.shape_cast %get3A_767 : vector<1x64x16xf32> to vector<64x16xf32>
    %get3A_769 = arith.constant 48 : index
    %get3A_770 = arith.constant 0 : index
    %get3A_771 = arith.constant 0 : index
    %get3A_772 = vector.load %arg2[%get3A_769, %get3A_770, %get3A_771] : memref<64x64x64xf32, #tpu.memory_space<vmem>>, vector<1x64x64xf32>
    %get3A_773 = vector.shape_cast %get3A_772 : vector<1x64x64xf32> to vector<64x64xf32>
    %dot_general3A_774 = arith.constant dense<0.000000e+00> : vector<64x16xf32>
    %dot_general3A_775 = tpu.matmul %get3A_773, %get3A_768, %dot_general3A_774 {dimension_numbers = #tpu.dot_dimension_numbers<[1], [0], [0], [1], [0, 0, 1, 1], [], []>, transpose_lhs_hint = false} : vector<64x64xf32>, vector<64x16xf32>, vector<64x16xf32> -> vector<64x16xf32>
    %add3A_776 = arith.addf %get3A_768, %dot_general3A_775 : vector<64x16xf32>
    %swap3A_777 = arith.constant 3072 : index
    %swap3A_778 = arith.constant 0 : index
    %swap3A_779 = vector.load %arg37[%swap3A_777, %swap3A_778] : memref<4096x16xf32, #tpu.memory_space<vmem>>, vector<64x16xf32>
    tpu.vector_store %arg37[%swap3A_777, %swap3A_778], %add3A_776 {strides = array<i32>} : memref<4096x16xf32, #tpu.memory_space<vmem>>, vector<64x16xf32>,
    %get3A_780 = arith.constant 49 : index
    %get3A_781 = arith.constant 0 : index
    %get3A_782 = arith.constant 0 : index
    %get3A_783 = vector.load %arg1[%get3A_780, %get3A_781, %get3A_782] : memref<64x64x16xf32, #tpu.memory_space<vmem>>, vector<1x64x16xf32>
    %get3A_784 = vector.shape_cast %get3A_783 : vector<1x64x16xf32> to vector<64x16xf32>
    %get3A_785 = arith.constant 49 : index
    %get3A_786 = arith.constant 0 : index
    %get3A_787 = arith.constant 0 : index
    %get3A_788 = vector.load %arg2[%get3A_785, %get3A_786, %get3A_787] : memref<64x64x64xf32, #tpu.memory_space<vmem>>, vector<1x64x64xf32>
    %get3A_789 = vector.shape_cast %get3A_788 : vector<1x64x64xf32> to vector<64x64xf32>
    %dot_general3A_790 = arith.constant dense<0.000000e+00> : vector<64x16xf32>
    %dot_general3A_791 = tpu.matmul %get3A_789, %get3A_784, %dot_general3A_790 {dimension_numbers = #tpu.dot_dimension_numbers<[1], [0], [0], [1], [0, 0, 1, 1], [], []>, transpose_lhs_hint = false} : vector<64x64xf32>, vector<64x16xf32>, vector<64x16xf32> -> vector<64x16xf32>
    %add3A_792 = arith.addf %get3A_784, %dot_general3A_791 : vector<64x16xf32>
    %swap3A_793 = arith.constant 3136 : index
    %swap3A_794 = arith.constant 0 : index
    %swap3A_795 = vector.load %arg37[%swap3A_793, %swap3A_794] : memref<4096x16xf32, #tpu.memory_space<vmem>>, vector<64x16xf32>
    tpu.vector_store %arg37[%swap3A_793, %swap3A_794], %add3A_792 {strides = array<i32>} : memref<4096x16xf32, #tpu.memory_space<vmem>>, vector<64x16xf32>,
    %get3A_796 = arith.constant 50 : index
    %get3A_797 = arith.constant 0 : index
    %get3A_798 = arith.constant 0 : index
    %get3A_799 = vector.load %arg1[%get3A_796, %get3A_797, %get3A_798] : memref<64x64x16xf32, #tpu.memory_space<vmem>>, vector<1x64x16xf32>
    %get3A_800 = vector.shape_cast %get3A_799 : vector<1x64x16xf32> to vector<64x16xf32>
    %get3A_801 = arith.constant 50 : index
    %get3A_802 = arith.constant 0 : index
    %get3A_803 = arith.constant 0 : index
    %get3A_804 = vector.load %arg2[%get3A_801, %get3A_802, %get3A_803] : memref<64x64x64xf32, #tpu.memory_space<vmem>>, vector<1x64x64xf32>
    %get3A_805 = vector.shape_cast %get3A_804 : vector<1x64x64xf32> to vector<64x64xf32>
    %dot_general3A_806 = arith.constant dense<0.000000e+00> : vector<64x16xf32>
    %dot_general3A_807 = tpu.matmul %get3A_805, %get3A_800, %dot_general3A_806 {dimension_numbers = #tpu.dot_dimension_numbers<[1], [0], [0], [1], [0, 0, 1, 1], [], []>, transpose_lhs_hint = false} : vector<64x64xf32>, vector<64x16xf32>, vector<64x16xf32> -> vector<64x16xf32>
    %add3A_808 = arith.addf %get3A_800, %dot_general3A_807 : vector<64x16xf32>
    %swap3A_809 = arith.constant 3200 : index
    %swap3A_810 = arith.constant 0 : index
    %swap3A_811 = vector.load %arg37[%swap3A_809, %swap3A_810] : memref<4096x16xf32, #tpu.memory_space<vmem>>, vector<64x16xf32>
    tpu.vector_store %arg37[%swap3A_809, %swap3A_810], %add3A_808 {strides = array<i32>} : memref<4096x16xf32, #tpu.memory_space<vmem>>, vector<64x16xf32>,
    %get3A_812 = arith.constant 51 : index
    %get3A_813 = arith.constant 0 : index
    %get3A_814 = arith.constant 0 : index
    %get3A_815 = vector.load %arg1[%get3A_812, %get3A_813, %get3A_814] : memref<64x64x16xf32, #tpu.memory_space<vmem>>, vector<1x64x16xf32>
    %get3A_816 = vector.shape_cast %get3A_815 : vector<1x64x16xf32> to vector<64x16xf32>
    %get3A_817 = arith.constant 51 : index
    %get3A_818 = arith.constant 0 : index
    %get3A_819 = arith.constant 0 : index
    %get3A_820 = vector.load %arg2[%get3A_817, %get3A_818, %get3A_819] : memref<64x64x64xf32, #tpu.memory_space<vmem>>, vector<1x64x64xf32>
    %get3A_821 = vector.shape_cast %get3A_820 : vector<1x64x64xf32> to vector<64x64xf32>
    %dot_general3A_822 = arith.constant dense<0.000000e+00> : vector<64x16xf32>
    %dot_general3A_823 = tpu.matmul %get3A_821, %get3A_816, %dot_general3A_822 {dimension_numbers = #tpu.dot_dimension_numbers<[1], [0], [0], [1], [0, 0, 1, 1], [], []>, transpose_lhs_hint = false} : vector<64x64xf32>, vector<64x16xf32>, vector<64x16xf32> -> vector<64x16xf32>
    %add3A_824 = arith.addf %get3A_816, %dot_general3A_823 : vector<64x16xf32>
    %swap3A_825 = arith.constant 3264 : index
    %swap3A_826 = arith.constant 0 : index
    %swap3A_827 = vector.load %arg37[%swap3A_825, %swap3A_826] : memref<4096x16xf32, #tpu.memory_space<vmem>>, vector<64x16xf32>
    tpu.vector_store %arg37[%swap3A_825, %swap3A_826], %add3A_824 {strides = array<i32>} : memref<4096x16xf32, #tpu.memory_space<vmem>>, vector<64x16xf32>,
    %get3A_828 = arith.constant 52 : index
    %get3A_829 = arith.constant 0 : index
    %get3A_830 = arith.constant 0 : index
    %get3A_831 = vector.load %arg1[%get3A_828, %get3A_829, %get3A_830] : memref<64x64x16xf32, #tpu.memory_space<vmem>>, vector<1x64x16xf32>
    %get3A_832 = vector.shape_cast %get3A_831 : vector<1x64x16xf32> to vector<64x16xf32>
    %get3A_833 = arith.constant 52 : index
    %get3A_834 = arith.constant 0 : index
    %get3A_835 = arith.constant 0 : index
    %get3A_836 = vector.load %arg2[%get3A_833, %get3A_834, %get3A_835] : memref<64x64x64xf32, #tpu.memory_space<vmem>>, vector<1x64x64xf32>
    %get3A_837 = vector.shape_cast %get3A_836 : vector<1x64x64xf32> to vector<64x64xf32>
    %dot_general3A_838 = arith.constant dense<0.000000e+00> : vector<64x16xf32>
    %dot_general3A_839 = tpu.matmul %get3A_837, %get3A_832, %dot_general3A_838 {dimension_numbers = #tpu.dot_dimension_numbers<[1], [0], [0], [1], [0, 0, 1, 1], [], []>, transpose_lhs_hint = false} : vector<64x64xf32>, vector<64x16xf32>, vector<64x16xf32> -> vector<64x16xf32>
    %add3A_840 = arith.addf %get3A_832, %dot_general3A_839 : vector<64x16xf32>
    %swap3A_841 = arith.constant 3328 : index
    %swap3A_842 = arith.constant 0 : index
    %swap3A_843 = vector.load %arg37[%swap3A_841, %swap3A_842] : memref<4096x16xf32, #tpu.memory_space<vmem>>, vector<64x16xf32>
    tpu.vector_store %arg37[%swap3A_841, %swap3A_842], %add3A_840 {strides = array<i32>} : memref<4096x16xf32, #tpu.memory_space<vmem>>, vector<64x16xf32>,
    %get3A_844 = arith.constant 53 : index
    %get3A_845 = arith.constant 0 : index
    %get3A_846 = arith.constant 0 : index
    %get3A_847 = vector.load %arg1[%get3A_844, %get3A_845, %get3A_846] : memref<64x64x16xf32, #tpu.memory_space<vmem>>, vector<1x64x16xf32>
    %get3A_848 = vector.shape_cast %get3A_847 : vector<1x64x16xf32> to vector<64x16xf32>
    %get3A_849 = arith.constant 53 : index
    %get3A_850 = arith.constant 0 : index
    %get3A_851 = arith.constant 0 : index
    %get3A_852 = vector.load %arg2[%get3A_849, %get3A_850, %get3A_851] : memref<64x64x64xf32, #tpu.memory_space<vmem>>, vector<1x64x64xf32>
    %get3A_853 = vector.shape_cast %get3A_852 : vector<1x64x64xf32> to vector<64x64xf32>
    %dot_general3A_854 = arith.constant dense<0.000000e+00> : vector<64x16xf32>
    %dot_general3A_855 = tpu.matmul %get3A_853, %get3A_848, %dot_general3A_854 {dimension_numbers = #tpu.dot_dimension_numbers<[1], [0], [0], [1], [0, 0, 1, 1], [], []>, transpose_lhs_hint = false} : vector<64x64xf32>, vector<64x16xf32>, vector<64x16xf32> -> vector<64x16xf32>
    %add3A_856 = arith.addf %get3A_848, %dot_general3A_855 : vector<64x16xf32>
    %swap3A_857 = arith.constant 3392 : index
    %swap3A_858 = arith.constant 0 : index
    %swap3A_859 = vector.load %arg37[%swap3A_857, %swap3A_858] : memref<4096x16xf32, #tpu.memory_space<vmem>>, vector<64x16xf32>
    tpu.vector_store %arg37[%swap3A_857, %swap3A_858], %add3A_856 {strides = array<i32>} : memref<4096x16xf32, #tpu.memory_space<vmem>>, vector<64x16xf32>,
    %get3A_860 = arith.constant 54 : index
    %get3A_861 = arith.constant 0 : index
    %get3A_862 = arith.constant 0 : index
    %get3A_863 = vector.load %arg1[%get3A_860, %get3A_861, %get3A_862] : memref<64x64x16xf32, #tpu.memory_space<vmem>>, vector<1x64x16xf32>
    %get3A_864 = vector.shape_cast %get3A_863 : vector<1x64x16xf32> to vector<64x16xf32>
    %get3A_865 = arith.constant 54 : index
    %get3A_866 = arith.constant 0 : index
    %get3A_867 = arith.constant 0 : index
    %get3A_868 = vector.load %arg2[%get3A_865, %get3A_866, %get3A_867] : memref<64x64x64xf32, #tpu.memory_space<vmem>>, vector<1x64x64xf32>
    %get3A_869 = vector.shape_cast %get3A_868 : vector<1x64x64xf32> to vector<64x64xf32>
    %dot_general3A_870 = arith.constant dense<0.000000e+00> : vector<64x16xf32>
    %dot_general3A_871 = tpu.matmul %get3A_869, %get3A_864, %dot_general3A_870 {dimension_numbers = #tpu.dot_dimension_numbers<[1], [0], [0], [1], [0, 0, 1, 1], [], []>, transpose_lhs_hint = false} : vector<64x64xf32>, vector<64x16xf32>, vector<64x16xf32> -> vector<64x16xf32>
    %add3A_872 = arith.addf %get3A_864, %dot_general3A_871 : vector<64x16xf32>
    %swap3A_873 = arith.constant 3456 : index
    %swap3A_874 = arith.constant 0 : index
    %swap3A_875 = vector.load %arg37[%swap3A_873, %swap3A_874] : memref<4096x16xf32, #tpu.memory_space<vmem>>, vector<64x16xf32>
    tpu.vector_store %arg37[%swap3A_873, %swap3A_874], %add3A_872 {strides = array<i32>} : memref<4096x16xf32, #tpu.memory_space<vmem>>, vector<64x16xf32>,
    %get3A_876 = arith.constant 55 : index
    %get3A_877 = arith.constant 0 : index
    %get3A_878 = arith.constant 0 : index
    %get3A_879 = vector.load %arg1[%get3A_876, %get3A_877, %get3A_878] : memref<64x64x16xf32, #tpu.memory_space<vmem>>, vector<1x64x16xf32>
    %get3A_880 = vector.shape_cast %get3A_879 : vector<1x64x16xf32> to vector<64x16xf32>
    %get3A_881 = arith.constant 55 : index
    %get3A_882 = arith.constant 0 : index
    %get3A_883 = arith.constant 0 : index
    %get3A_884 = vector.load %arg2[%get3A_881, %get3A_882, %get3A_883] : memref<64x64x64xf32, #tpu.memory_space<vmem>>, vector<1x64x64xf32>
    %get3A_885 = vector.shape_cast %get3A_884 : vector<1x64x64xf32> to vector<64x64xf32>
    %dot_general3A_886 = arith.constant dense<0.000000e+00> : vector<64x16xf32>
    %dot_general3A_887 = tpu.matmul %get3A_885, %get3A_880, %dot_general3A_886 {dimension_numbers = #tpu.dot_dimension_numbers<[1], [0], [0], [1], [0, 0, 1, 1], [], []>, transpose_lhs_hint = false} : vector<64x64xf32>, vector<64x16xf32>, vector<64x16xf32> -> vector<64x16xf32>
    %add3A_888 = arith.addf %get3A_880, %dot_general3A_887 : vector<64x16xf32>
    %swap3A_889 = arith.constant 3520 : index
    %swap3A_890 = arith.constant 0 : index
    %swap3A_891 = vector.load %arg37[%swap3A_889, %swap3A_890] : memref<4096x16xf32, #tpu.memory_space<vmem>>, vector<64x16xf32>
    tpu.vector_store %arg37[%swap3A_889, %swap3A_890], %add3A_888 {strides = array<i32>} : memref<4096x16xf32, #tpu.memory_space<vmem>>, vector<64x16xf32>,
    %get3A_892 = arith.constant 56 : index
    %get3A_893 = arith.constant 0 : index
    %get3A_894 = arith.constant 0 : index
    %get3A_895 = vector.load %arg1[%get3A_892, %get3A_893, %get3A_894] : memref<64x64x16xf32, #tpu.memory_space<vmem>>, vector<1x64x16xf32>
    %get3A_896 = vector.shape_cast %get3A_895 : vector<1x64x16xf32> to vector<64x16xf32>
    %get3A_897 = arith.constant 56 : index
    %get3A_898 = arith.constant 0 : index
    %get3A_899 = arith.constant 0 : index
    %get3A_900 = vector.load %arg2[%get3A_897, %get3A_898, %get3A_899] : memref<64x64x64xf32, #tpu.memory_space<vmem>>, vector<1x64x64xf32>
    %get3A_901 = vector.shape_cast %get3A_900 : vector<1x64x64xf32> to vector<64x64xf32>
    %dot_general3A_902 = arith.constant dense<0.000000e+00> : vector<64x16xf32>
    %dot_general3A_903 = tpu.matmul %get3A_901, %get3A_896, %dot_general3A_902 {dimension_numbers = #tpu.dot_dimension_numbers<[1], [0], [0], [1], [0, 0, 1, 1], [], []>, transpose_lhs_hint = false} : vector<64x64xf32>, vector<64x16xf32>, vector<64x16xf32> -> vector<64x16xf32>
    %add3A_904 = arith.addf %get3A_896, %dot_general3A_903 : vector<64x16xf32>
    %swap3A_905 = arith.constant 3584 : index
    %swap3A_906 = arith.constant 0 : index
    %swap3A_907 = vector.load %arg37[%swap3A_905, %swap3A_906] : memref<4096x16xf32, #tpu.memory_space<vmem>>, vector<64x16xf32>
    tpu.vector_store %arg37[%swap3A_905, %swap3A_906], %add3A_904 {strides = array<i32>} : memref<4096x16xf32, #tpu.memory_space<vmem>>, vector<64x16xf32>,
    %get3A_908 = arith.constant 57 : index
    %get3A_909 = arith.constant 0 : index
    %get3A_910 = arith.constant 0 : index
    %get3A_911 = vector.load %arg1[%get3A_908, %get3A_909, %get3A_910] : memref<64x64x16xf32, #tpu.memory_space<vmem>>, vector<1x64x16xf32>
    %get3A_912 = vector.shape_cast %get3A_911 : vector<1x64x16xf32> to vector<64x16xf32>
    %get3A_913 = arith.constant 57 : index
    %get3A_914 = arith.constant 0 : index
    %get3A_915 = arith.constant 0 : index
    %get3A_916 = vector.load %arg2[%get3A_913, %get3A_914, %get3A_915] : memref<64x64x64xf32, #tpu.memory_space<vmem>>, vector<1x64x64xf32>
    %get3A_917 = vector.shape_cast %get3A_916 : vector<1x64x64xf32> to vector<64x64xf32>
    %dot_general3A_918 = arith.constant dense<0.000000e+00> : vector<64x16xf32>
    %dot_general3A_919 = tpu.matmul %get3A_917, %get3A_912, %dot_general3A_918 {dimension_numbers = #tpu.dot_dimension_numbers<[1], [0], [0], [1], [0, 0, 1, 1], [], []>, transpose_lhs_hint = false} : vector<64x64xf32>, vector<64x16xf32>, vector<64x16xf32> -> vector<64x16xf32>
    %add3A_920 = arith.addf %get3A_912, %dot_general3A_919 : vector<64x16xf32>
    %swap3A_921 = arith.constant 3648 : index
    %swap3A_922 = arith.constant 0 : index
    %swap3A_923 = vector.load %arg37[%swap3A_921, %swap3A_922] : memref<4096x16xf32, #tpu.memory_space<vmem>>, vector<64x16xf32>
    tpu.vector_store %arg37[%swap3A_921, %swap3A_922], %add3A_920 {strides = array<i32>} : memref<4096x16xf32, #tpu.memory_space<vmem>>, vector<64x16xf32>,
    %get3A_924 = arith.constant 58 : index
    %get3A_925 = arith.constant 0 : index
    %get3A_926 = arith.constant 0 : index
    %get3A_927 = vector.load %arg1[%get3A_924, %get3A_925, %get3A_926] : memref<64x64x16xf32, #tpu.memory_space<vmem>>, vector<1x64x16xf32>
    %get3A_928 = vector.shape_cast %get3A_927 : vector<1x64x16xf32> to vector<64x16xf32>
    %get3A_929 = arith.constant 58 : index
    %get3A_930 = arith.constant 0 : index
    %get3A_931 = arith.constant 0 : index
    %get3A_932 = vector.load %arg2[%get3A_929, %get3A_930, %get3A_931] : memref<64x64x64xf32, #tpu.memory_space<vmem>>, vector<1x64x64xf32>
    %get3A_933 = vector.shape_cast %get3A_932 : vector<1x64x64xf32> to vector<64x64xf32>
    %dot_general3A_934 = arith.constant dense<0.000000e+00> : vector<64x16xf32>
    %dot_general3A_935 = tpu.matmul %get3A_933, %get3A_928, %dot_general3A_934 {dimension_numbers = #tpu.dot_dimension_numbers<[1], [0], [0], [1], [0, 0, 1, 1], [], []>, transpose_lhs_hint = false} : vector<64x64xf32>, vector<64x16xf32>, vector<64x16xf32> -> vector<64x16xf32>
    %add3A_936 = arith.addf %get3A_928, %dot_general3A_935 : vector<64x16xf32>
    %swap3A_937 = arith.constant 3712 : index
    %swap3A_938 = arith.constant 0 : index
    %swap3A_939 = vector.load %arg37[%swap3A_937, %swap3A_938] : memref<4096x16xf32, #tpu.memory_space<vmem>>, vector<64x16xf32>
    tpu.vector_store %arg37[%swap3A_937, %swap3A_938], %add3A_936 {strides = array<i32>} : memref<4096x16xf32, #tpu.memory_space<vmem>>, vector<64x16xf32>,
    %get3A_940 = arith.constant 59 : index
    %get3A_941 = arith.constant 0 : index
    %get3A_942 = arith.constant 0 : index
    %get3A_943 = vector.load %arg1[%get3A_940, %get3A_941, %get3A_942] : memref<64x64x16xf32, #tpu.memory_space<vmem>>, vector<1x64x16xf32>
    %get3A_944 = vector.shape_cast %get3A_943 : vector<1x64x16xf32> to vector<64x16xf32>
    %get3A_945 = arith.constant 59 : index
    %get3A_946 = arith.constant 0 : index
    %get3A_947 = arith.constant 0 : index
    %get3A_948 = vector.load %arg2[%get3A_945, %get3A_946, %get3A_947] : memref<64x64x64xf32, #tpu.memory_space<vmem>>, vector<1x64x64xf32>
    %get3A_949 = vector.shape_cast %get3A_948 : vector<1x64x64xf32> to vector<64x64xf32>
    %dot_general3A_950 = arith.constant dense<0.000000e+00> : vector<64x16xf32>
    %dot_general3A_951 = tpu.matmul %get3A_949, %get3A_944, %dot_general3A_950 {dimension_numbers = #tpu.dot_dimension_numbers<[1], [0], [0], [1], [0, 0, 1, 1], [], []>, transpose_lhs_hint = false} : vector<64x64xf32>, vector<64x16xf32>, vector<64x16xf32> -> vector<64x16xf32>
    %add3A_952 = arith.addf %get3A_944, %dot_general3A_951 : vector<64x16xf32>
    %swap3A_953 = arith.constant 3776 : index
    %swap3A_954 = arith.constant 0 : index
    %swap3A_955 = vector.load %arg37[%swap3A_953, %swap3A_954] : memref<4096x16xf32, #tpu.memory_space<vmem>>, vector<64x16xf32>
    tpu.vector_store %arg37[%swap3A_953, %swap3A_954], %add3A_952 {strides = array<i32>} : memref<4096x16xf32, #tpu.memory_space<vmem>>, vector<64x16xf32>,
    %get3A_956 = arith.constant 60 : index
    %get3A_957 = arith.constant 0 : index
    %get3A_958 = arith.constant 0 : index
    %get3A_959 = vector.load %arg1[%get3A_956, %get3A_957, %get3A_958] : memref<64x64x16xf32, #tpu.memory_space<vmem>>, vector<1x64x16xf32>
    %get3A_960 = vector.shape_cast %get3A_959 : vector<1x64x16xf32> to vector<64x16xf32>
    %get3A_961 = arith.constant 60 : index
    %get3A_962 = arith.constant 0 : index
    %get3A_963 = arith.constant 0 : index
    %get3A_964 = vector.load %arg2[%get3A_961, %get3A_962, %get3A_963] : memref<64x64x64xf32, #tpu.memory_space<vmem>>, vector<1x64x64xf32>
    %get3A_965 = vector.shape_cast %get3A_964 : vector<1x64x64xf32> to vector<64x64xf32>
    %dot_general3A_966 = arith.constant dense<0.000000e+00> : vector<64x16xf32>
    %dot_general3A_967 = tpu.matmul %get3A_965, %get3A_960, %dot_general3A_966 {dimension_numbers = #tpu.dot_dimension_numbers<[1], [0], [0], [1], [0, 0, 1, 1], [], []>, transpose_lhs_hint = false} : vector<64x64xf32>, vector<64x16xf32>, vector<64x16xf32> -> vector<64x16xf32>
    %add3A_968 = arith.addf %get3A_960, %dot_general3A_967 : vector<64x16xf32>
    %swap3A_969 = arith.constant 3840 : index
    %swap3A_970 = arith.constant 0 : index
    %swap3A_971 = vector.load %arg37[%swap3A_969, %swap3A_970] : memref<4096x16xf32, #tpu.memory_space<vmem>>, vector<64x16xf32>
    tpu.vector_store %arg37[%swap3A_969, %swap3A_970], %add3A_968 {strides = array<i32>} : memref<4096x16xf32, #tpu.memory_space<vmem>>, vector<64x16xf32>,
    %get3A_972 = arith.constant 61 : index
    %get3A_973 = arith.constant 0 : index
    %get3A_974 = arith.constant 0 : index
    %get3A_975 = vector.load %arg1[%get3A_972, %get3A_973, %get3A_974] : memref<64x64x16xf32, #tpu.memory_space<vmem>>, vector<1x64x16xf32>
    %get3A_976 = vector.shape_cast %get3A_975 : vector<1x64x16xf32> to vector<64x16xf32>
    %get3A_977 = arith.constant 61 : index
    %get3A_978 = arith.constant 0 : index
    %get3A_979 = arith.constant 0 : index
    %get3A_980 = vector.load %arg2[%get3A_977, %get3A_978, %get3A_979] : memref<64x64x64xf32, #tpu.memory_space<vmem>>, vector<1x64x64xf32>
    %get3A_981 = vector.shape_cast %get3A_980 : vector<1x64x64xf32> to vector<64x64xf32>
    %dot_general3A_982 = arith.constant dense<0.000000e+00> : vector<64x16xf32>
    %dot_general3A_983 = tpu.matmul %get3A_981, %get3A_976, %dot_general3A_982 {dimension_numbers = #tpu.dot_dimension_numbers<[1], [0], [0], [1], [0, 0, 1, 1], [], []>, transpose_lhs_hint = false} : vector<64x64xf32>, vector<64x16xf32>, vector<64x16xf32> -> vector<64x16xf32>
    %add3A_984 = arith.addf %get3A_976, %dot_general3A_983 : vector<64x16xf32>
    %swap3A_985 = arith.constant 3904 : index
    %swap3A_986 = arith.constant 0 : index
    %swap3A_987 = vector.load %arg37[%swap3A_985, %swap3A_986] : memref<4096x16xf32, #tpu.memory_space<vmem>>, vector<64x16xf32>
    tpu.vector_store %arg37[%swap3A_985, %swap3A_986], %add3A_984 {strides = array<i32>} : memref<4096x16xf32, #tpu.memory_space<vmem>>, vector<64x16xf32>,
    %get3A_988 = arith.constant 62 : index
    %get3A_989 = arith.constant 0 : index
    %get3A_990 = arith.constant 0 : index
    %get3A_991 = vector.load %arg1[%get3A_988, %get3A_989, %get3A_990] : memref<64x64x16xf32, #tpu.memory_space<vmem>>, vector<1x64x16xf32>
    %get3A_992 = vector.shape_cast %get3A_991 : vector<1x64x16xf32> to vector<64x16xf32>
    %get3A_993 = arith.constant 62 : index
    %get3A_994 = arith.constant 0 : index
    %get3A_995 = arith.constant 0 : index
    %get3A_996 = vector.load %arg2[%get3A_993, %get3A_994, %get3A_995] : memref<64x64x64xf32, #tpu.memory_space<vmem>>, vector<1x64x64xf32>
    %get3A_997 = vector.shape_cast %get3A_996 : vector<1x64x64xf32> to vector<64x64xf32>
    %dot_general3A_998 = arith.constant dense<0.000000e+00> : vector<64x16xf32>
    %dot_general3A_999 = tpu.matmul %get3A_997, %get3A_992, %dot_general3A_998 {dimension_numbers = #tpu.dot_dimension_numbers<[1], [0], [0], [1], [0, 0, 1, 1], [], []>, transpose_lhs_hint = false} : vector<64x64xf32>, vector<64x16xf32>, vector<64x16xf32> -> vector<64x16xf32>
    %add3A_1000 = arith.addf %get3A_992, %dot_general3A_999 : vector<64x16xf32>
    %swap3A_1001 = arith.constant 3968 : index
    %swap3A_1002 = arith.constant 0 : index
    %swap3A_1003 = vector.load %arg37[%swap3A_1001, %swap3A_1002] : memref<4096x16xf32, #tpu.memory_space<vmem>>, vector<64x16xf32>
    tpu.vector_store %arg37[%swap3A_1001, %swap3A_1002], %add3A_1000 {strides = array<i32>} : memref<4096x16xf32, #tpu.memory_space<vmem>>, vector<64x16xf32>,
    %get3A_1004 = arith.constant 63 : index
    %get3A_1005 = arith.constant 0 : index
    %get3A_1006 = arith.constant 0 : index
    %get3A_1007 = vector.load %arg1[%get3A_1004, %get3A_1005, %get3A_1006] : memref<64x64x16xf32, #tpu.memory_space<vmem>>, vector<1x64x16xf32>
    %get3A_1008 = vector.shape_cast %get3A_1007 : vector<1x64x16xf32> to vector<64x16xf32>
    %get3A_1009 = arith.constant 63 : index
    %get3A_1010 = arith.constant 0 : index
    %get3A_1011 = arith.constant 0 : index
    %get3A_1012 = vector.load %arg2[%get3A_1009, %get3A_1010, %get3A_1011] : memref<64x64x64xf32, #tpu.memory_space<vmem>>, vector<1x64x64xf32>
    %get3A_1013 = vector.shape_cast %get3A_1012 : vector<1x64x64xf32> to vector<64x64xf32>
    %dot_general3A_1014 = arith.constant dense<0.000000e+00> : vector<64x16xf32>
    %dot_general3A_1015 = tpu.matmul %get3A_1013, %get3A_1008, %dot_general3A_1014 {dimension_numbers = #tpu.dot_dimension_numbers<[1], [0], [0], [1], [0, 0, 1, 1], [], []>, transpose_lhs_hint = false} : vector<64x64xf32>, vector<64x16xf32>, vector<64x16xf32> -> vector<64x16xf32>
    %add3A_1016 = arith.addf %get3A_1008, %dot_general3A_1015 : vector<64x16xf32>
    %swap3A_1017 = arith.constant 4032 : index
    %swap3A_1018 = arith.constant 0 : index
    %swap3A_1019 = vector.load %arg37[%swap3A_1017, %swap3A_1018] : memref<4096x16xf32, #tpu.memory_space<vmem>>, vector<64x16xf32>
    tpu.vector_store %arg37[%swap3A_1017, %swap3A_1018], %add3A_1016 {strides = array<i32>} : memref<4096x16xf32, #tpu.memory_space<vmem>>, vector<64x16xf32>,
    %get3A_1020 = arith.constant 0 : index
    %get3A_1021 = arith.constant 0 : index
    %get3A_1022 = vector.load %arg37[%get3A_1020, %get3A_1021] : memref<4096x16xf32, #tpu.memory_space<vmem>>, vector<4096x16xf32>
    %get3A_1023 = arith.constant 0 : index
    %get3A_1024 = arith.constant 0 : index
    %get3A_1025 = vector.load %arg4[%get3A_1023, %get3A_1024] : memref<16x128xf32, #tpu.memory_space<vmem>>, vector<16x128xf32>
    %dot_general3A_1026 = arith.constant dense<0.000000e+00> : vector<4096x128xf32>
    %dot_general3A_1027 = tpu.matmul %get3A_1022, %get3A_1025, %dot_general3A_1026 {dimension_numbers = #tpu.dot_dimension_numbers<[1], [0], [0], [1], [0, 0, 1, 1], [], []>, transpose_lhs_hint = false} : vector<4096x16xf32>, vector<16x128xf32>, vector<4096x128xf32> -> vector<4096x128xf32>
    %get3A_1028 = arith.constant 0 : index
    %get3A_1029 = arith.constant 0 : index
    %get3A_1030 = vector.load %arg5[%get3A_1028, %get3A_1029] : memref<1x128xf32, #tpu.memory_space<vmem>>, vector<1x128xf32>
    %add3A_1031 = vector.broadcast %get3A_1030 : vector<1x128xf32> to vector<4096x128xf32>
    %add3A_1032 = arith.addf %dot_general3A_1027, %add3A_1031 : vector<4096x128xf32>
    %max3A = arith.constant 0.000000e+00 : f32
    %max3A_1033 = vector.broadcast %max3A : f32 to vector<4096x128xf32>
    %max3A_1034 = arith.maximumf %add3A_1032, %max3A_1033 : vector<4096x128xf32>
    %get3A_1035 = arith.constant 0 : index
    %get3A_1036 = arith.constant 0 : index
    %get3A_1037 = vector.load %arg6[%get3A_1035, %get3A_1036] : memref<128x128xf32, #tpu.memory_space<vmem>>, vector<128x128xf32>
    %dot_general3A_1038 = arith.constant dense<0.000000e+00> : vector<4096x128xf32>
    %dot_general3A_1039 = tpu.matmul %max3A_1034, %get3A_1037, %dot_general3A_1038 {dimension_numbers = #tpu.dot_dimension_numbers<[1], [0], [0], [1], [0, 0, 1, 1], [], []>, transpose_lhs_hint = false} : vector<4096x128xf32>, vector<128x128xf32>, vector<4096x128xf32> -> vector<4096x128xf32>
    %get3A_1040 = arith.constant 0 : index
    %get3A_1041 = arith.constant 0 : index
    %get3A_1042 = vector.load %arg7[%get3A_1040, %get3A_1041] : memref<1x128xf32, #tpu.memory_space<vmem>>, vector<1x128xf32>
    %add3A_1043 = vector.broadcast %get3A_1042 : vector<1x128xf32> to vector<4096x128xf32>
    %add3A_1044 = arith.addf %dot_general3A_1039, %add3A_1043 : vector<4096x128xf32>
    %max3A_1045 = arith.constant 0.000000e+00 : f32
    %max3A_1046 = vector.broadcast %max3A_1045 : f32 to vector<4096x128xf32>
    %max3A_1047 = arith.maximumf %add3A_1044, %max3A_1046 : vector<4096x128xf32>
    %get3A_1048 = arith.constant 0 : index
    %get3A_1049 = arith.constant 0 : index
    %get3A_1050 = vector.load %arg8[%get3A_1048, %get3A_1049] : memref<128x128xf32, #tpu.memory_space<vmem>>, vector<128x128xf32>
    %dot_general3A_1051 = arith.constant dense<0.000000e+00> : vector<4096x128xf32>
    %dot_general3A_1052 = tpu.matmul %max3A_1047, %get3A_1050, %dot_general3A_1051 {dimension_numbers = #tpu.dot_dimension_numbers<[1], [0], [0], [1], [0, 0, 1, 1], [], []>, transpose_lhs_hint = false} : vector<4096x128xf32>, vector<128x128xf32>, vector<4096x128xf32> -> vector<4096x128xf32>
    %get3A_1053 = arith.constant 0 : index
    %get3A_1054 = arith.constant 0 : index
    %get3A_1055 = vector.load %arg9[%get3A_1053, %get3A_1054] : memref<1x128xf32, #tpu.memory_space<vmem>>, vector<1x128xf32>
    %add3A_1056 = vector.broadcast %get3A_1055 : vector<1x128xf32> to vector<4096x128xf32>
    %add3A_1057 = arith.addf %dot_general3A_1052, %add3A_1056 : vector<4096x128xf32>
    %max3A_1058 = arith.constant 0.000000e+00 : f32
    %max3A_1059 = vector.broadcast %max3A_1058 : f32 to vector<4096x128xf32>
    %max3A_1060 = arith.maximumf %add3A_1057, %max3A_1059 : vector<4096x128xf32>
    %get3A_1061 = arith.constant 0 : index
    %get3A_1062 = arith.constant 0 : index
    %get3A_1063 = vector.load %arg10[%get3A_1061, %get3A_1062] : memref<128x128xf32, #tpu.memory_space<vmem>>, vector<128x128xf32>
    %dot_general3A_1064 = arith.constant dense<0.000000e+00> : vector<4096x128xf32>
    %dot_general3A_1065 = tpu.matmul %max3A_1060, %get3A_1063, %dot_general3A_1064 {dimension_numbers = #tpu.dot_dimension_numbers<[1], [0], [0], [1], [0, 0, 1, 1], [], []>, transpose_lhs_hint = false} : vector<4096x128xf32>, vector<128x128xf32>, vector<4096x128xf32> -> vector<4096x128xf32>
    %get3A_1066 = arith.constant 0 : index
    %get3A_1067 = arith.constant 0 : index
    %get3A_1068 = vector.load %arg11[%get3A_1066, %get3A_1067] : memref<1x128xf32, #tpu.memory_space<vmem>>, vector<1x128xf32>
    %add3A_1069 = vector.broadcast %get3A_1068 : vector<1x128xf32> to vector<4096x128xf32>
    %add3A_1070 = arith.addf %dot_general3A_1065, %add3A_1069 : vector<4096x128xf32>
    %max3A_1071 = arith.constant 0.000000e+00 : f32
    %max3A_1072 = vector.broadcast %max3A_1071 : f32 to vector<4096x128xf32>
    %max3A_1073 = arith.maximumf %add3A_1070, %max3A_1072 : vector<4096x128xf32>
    %get3A_1074 = arith.constant 0 : index
    %get3A_1075 = arith.constant 0 : index
    %get3A_1076 = vector.load %arg12[%get3A_1074, %get3A_1075] : memref<128x16xf32, #tpu.memory_space<vmem>>, vector<128x16xf32>
    %dot_general3A_1077 = arith.constant dense<0.000000e+00> : vector<4096x16xf32>
    %dot_general3A_1078 = tpu.matmul %max3A_1073, %get3A_1076, %dot_general3A_1077 {dimension_numbers = #tpu.dot_dimension_numbers<[1], [0], [0], [1], [0, 0, 1, 1], [], []>, transpose_lhs_hint = false} : vector<4096x128xf32>, vector<128x16xf32>, vector<4096x16xf32> -> vector<4096x16xf32>
    %get3A_1079 = arith.constant 0 : index
    %get3A_1080 = arith.constant 0 : index
    %get3A_1081 = vector.load %arg13[%get3A_1079, %get3A_1080] : memref<1x16xf32, #tpu.memory_space<vmem>>, vector<1x16xf32>
    %add3A_1082 = vector.broadcast %get3A_1081 : vector<1x16xf32> to vector<4096x16xf32>
    %add3A_1083 = arith.addf %dot_general3A_1078, %add3A_1082 : vector<4096x16xf32>
    %max3A_1084 = arith.constant 0.000000e+00 : f32
    %max3A_1085 = vector.broadcast %max3A_1084 : f32 to vector<4096x16xf32>
    %max3A_1086 = arith.maximumf %add3A_1083, %max3A_1085 : vector<4096x16xf32>
    %get3A_1087 = arith.constant 0 : index
    %get3A_1088 = arith.constant 0 : index
    %get3A_1089 = vector.load %arg14[%get3A_1087, %get3A_1088] : memref<16x16xf32, #tpu.memory_space<vmem>>, vector<16x16xf32>
    %dot_general3A_1090 = arith.constant dense<0.000000e+00> : vector<4096x16xf32>
    %dot_general3A_1091 = tpu.matmul %max3A_1086, %get3A_1089, %dot_general3A_1090 {dimension_numbers = #tpu.dot_dimension_numbers<[1], [0], [0], [1], [0, 0, 1, 1], [], []>, transpose_lhs_hint = false} : vector<4096x16xf32>, vector<16x16xf32>, vector<4096x16xf32> -> vector<4096x16xf32>
    %get3A_1092 = arith.constant 0 : index
    %get3A_1093 = arith.constant 0 : index
    %get3A_1094 = vector.load %arg15[%get3A_1092, %get3A_1093] : memref<1x16xf32, #tpu.memory_space<vmem>>, vector<1x16xf32>
    %add3A_1095 = vector.broadcast %get3A_1094 : vector<1x16xf32> to vector<4096x16xf32>
    %add3A_1096 = arith.addf %dot_general3A_1091, %add3A_1095 : vector<4096x16xf32>
    %get3A_1097 = arith.constant 0 : index
    %get3A_1098 = arith.constant 0 : index
    %get3A_1099 = vector.load %arg16[%get3A_1097, %get3A_1098] : memref<16x16xf32, #tpu.memory_space<vmem>>, vector<16x16xf32>
    %dot_general3A_1100 = arith.constant dense<0.000000e+00> : vector<4096x16xf32>
    %dot_general3A_1101 = tpu.matmul %max3A_1086, %get3A_1099, %dot_general3A_1100 {dimension_numbers = #tpu.dot_dimension_numbers<[1], [0], [0], [1], [0, 0, 1, 1], [], []>, transpose_lhs_hint = false} : vector<4096x16xf32>, vector<16x16xf32>, vector<4096x16xf32> -> vector<4096x16xf32>
    %get3A_1102 = arith.constant 0 : index
    %get3A_1103 = arith.constant 0 : index
    %get3A_1104 = vector.load %arg17[%get3A_1102, %get3A_1103] : memref<1x16xf32, #tpu.memory_space<vmem>>, vector<1x16xf32>
    %add3A_1105 = vector.broadcast %get3A_1104 : vector<1x16xf32> to vector<4096x16xf32>
    %add3A_1106 = arith.addf %dot_general3A_1101, %add3A_1105 : vector<4096x16xf32>
    %reshape3A = vector.shape_cast %add3A_1096 : vector<4096x16xf32> to vector<64x64x16xf32>
    %swap3A_1107 = arith.constant 0 : index
    %swap3A_1108 = arith.constant 0 : index
    %swap3A_1109 = arith.constant 0 : index
    %swap3A_1110 = vector.load %arg36[%swap3A_1107, %swap3A_1108, %swap3A_1109] : memref<64x64x16xf32, #tpu.memory_space<vmem>>, vector<64x64x16xf32>
    tpu.vector_store %arg36[%swap3A_1107, %swap3A_1108, %swap3A_1109], %reshape3A {strides = array<i32>} : memref<64x64x16xf32, #tpu.memory_space<vmem>>, vector<64x64x16xf32>,
    %exp3A = math.exp %add3A_1106 : vector<4096x16xf32>
    %add3A_1111 = arith.constant 1.000000e+00 : f32
    %add3A_1112 = vector.broadcast %add3A_1111 : f32 to vector<4096x16xf32>
    %add3A_1113 = arith.addf %add3A_1112, %add3A_1106 : vector<4096x16xf32>
    %mul3A = arith.mulf %add3A_1096, %add3A_1096 : vector<4096x16xf32>
    %sub3A = arith.subf %add3A_1113, %mul3A : vector<4096x16xf32>
    %sub3A_1114 = arith.subf %sub3A, %exp3A : vector<4096x16xf32>
    %reduce_sum3A = vector.shape_cast %sub3A_1114 : vector<4096x16xf32> to vector<1x4096x16xf32>
    %reduce_sum3A_1115 = arith.constant dense<0.000000e+00> : vector<1xf32>
    %reduce_sum3A_1116 = vector.multi_reduction <add>, %reduce_sum3A, %reduce_sum3A_1115 [1, 2] : vector<1x4096x16xf32> to vector<1xf32>
    %reduce_sum3A_1117 = vector.shape_cast %reduce_sum3A_1116 : vector<1xf32> to vector<1x1x1xf32>
    %reduce_sum3A_1118 = vector.extract %reduce_sum3A_1117[0, 0, 0] : f32 from vector<1x1x1xf32>
    %mul3A_1119 = arith.constant -1.90734863E-6 : f32
    %mul3A_1120 = arith.mulf %reduce_sum3A_1118, %mul3A_1119 : f32
    %reshape3A_1121 = vector.broadcast %mul3A_1120 : f32 to vector<1x1x1xf32>
    %swap3A_1122 = arith.constant 0 : index
    %swap3A_1123 = arith.constant 0 : index
    %swap3A_1124 = arith.constant 0 : index
    %swap3A_1125 = vector.load %arg35[%swap3A_1122, %swap3A_1123, %swap3A_1124] : memref<1x1x1xf32, #tpu.memory_space<vmem>>, vector<1x1x1xf32>
    tpu.vector_store %arg35[%swap3A_1122, %swap3A_1123, %swap3A_1124], %reshape3A_1121 {strides = array<i32>} : memref<1x1x1xf32, #tpu.memory_space<vmem>>, vector<1x1x1xf32>,
    %get3A_1126 = arith.constant 0 : index
    %get3A_1127 = arith.constant 0 : index
    %get3A_1128 = arith.constant 0 : index
    %get3A_1129 = vector.load %arg3[%get3A_1126, %get3A_1127, %get3A_1128] : memref<64x64x16xf32, #tpu.memory_space<vmem>>, vector<64x64x16xf32>
    %reshape3A_1130 = vector.shape_cast %get3A_1129 : vector<64x64x16xf32> to vector<4096x16xf32>
    %mul3A_1131 = arith.constant 5.000000e-01 : f32
    %mul3A_1132 = vector.broadcast %mul3A_1131 : f32 to vector<4096x16xf32>
    %mul3A_1133 = arith.mulf %add3A_1106, %mul3A_1132 : vector<4096x16xf32>
    %exp3A_1134 = math.exp %mul3A_1133 : vector<4096x16xf32>
    %mul3A_1135 = arith.mulf %exp3A_1134, %reshape3A_1130 : vector<4096x16xf32>
    %mul3A_1136 = arith.constant 0.00999999977 : f32
    %mul3A_1137 = vector.broadcast %mul3A_1136 : f32 to vector<4096x16xf32>
    %mul3A_1138 = arith.mulf %mul3A_1135, %mul3A_1137 : vector<4096x16xf32>
    %add3A_1139 = arith.addf %add3A_1096, %mul3A_1138 : vector<4096x16xf32>
    %get3A_1140 = arith.constant 0 : index
    %get3A_1141 = arith.constant 0 : index
    %get3A_1142 = vector.load %arg18[%get3A_1140, %get3A_1141] : memref<16x256xf32, #tpu.memory_space<vmem>>, vector<16x256xf32>
    %dot_general3A_1143 = arith.constant dense<0.000000e+00> : vector<4096x256xf32>
    %dot_general3A_1144 = tpu.matmul %add3A_1139, %get3A_1142, %dot_general3A_1143 {dimension_numbers = #tpu.dot_dimension_numbers<[1], [0], [0], [1], [0, 0, 1, 1], [], []>, transpose_lhs_hint = false} : vector<4096x16xf32>, vector<16x256xf32>, vector<4096x256xf32> -> vector<4096x256xf32>
    %get3A_1145 = arith.constant 0 : index
    %get3A_1146 = arith.constant 0 : index
    %get3A_1147 = vector.load %arg19[%get3A_1145, %get3A_1146] : memref<1x256xf32, #tpu.memory_space<vmem>>, vector<1x256xf32>
    %add3A_1148 = vector.broadcast %get3A_1147 : vector<1x256xf32> to vector<4096x256xf32>
    %add3A_1149 = arith.addf %dot_general3A_1144, %add3A_1148 : vector<4096x256xf32>
    %max3A_1150 = arith.constant 0.000000e+00 : f32
    %max3A_1151 = vector.broadcast %max3A_1150 : f32 to vector<4096x256xf32>
    %max3A_1152 = arith.maximumf %add3A_1149, %max3A_1151 : vector<4096x256xf32>
    %get3A_1153 = arith.constant 0 : index
    %get3A_1154 = arith.constant 0 : index
    %get3A_1155 = vector.load %arg20[%get3A_1153, %get3A_1154] : memref<256x256xf32, #tpu.memory_space<vmem>>, vector<256x256xf32>
    %dot_general3A_1156 = arith.constant dense<0.000000e+00> : vector<4096x256xf32>
    %dot_general3A_1157 = tpu.matmul %max3A_1152, %get3A_1155, %dot_general3A_1156 {dimension_numbers = #tpu.dot_dimension_numbers<[1], [0], [0], [1], [0, 0, 1, 1], [], []>, transpose_lhs_hint = false} : vector<4096x256xf32>, vector<256x256xf32>, vector<4096x256xf32> -> vector<4096x256xf32>
    %get3A_1158 = arith.constant 0 : index
    %get3A_1159 = arith.constant 0 : index
    %get3A_1160 = vector.load %arg21[%get3A_1158, %get3A_1159] : memref<1x256xf32, #tpu.memory_space<vmem>>, vector<1x256xf32>
    %add3A_1161 = vector.broadcast %get3A_1160 : vector<1x256xf32> to vector<4096x256xf32>
    %add3A_1162 = arith.addf %dot_general3A_1157, %add3A_1161 : vector<4096x256xf32>
    %max3A_1163 = arith.constant 0.000000e+00 : f32
    %max3A_1164 = vector.broadcast %max3A_1163 : f32 to vector<4096x256xf32>
    %max3A_1165 = arith.maximumf %add3A_1162, %max3A_1164 : vector<4096x256xf32>
    %get3A_1166 = arith.constant 0 : index
    %get3A_1167 = arith.constant 0 : index
    %get3A_1168 = vector.load %arg22[%get3A_1166, %get3A_1167] : memref<256x16xf32, #tpu.memory_space<vmem>>, vector<256x16xf32>
    %dot_general3A_1169 = arith.constant dense<0.000000e+00> : vector<4096x16xf32>
    %dot_general3A_1170 = tpu.matmul %max3A_1165, %get3A_1168, %dot_general3A_1169 {dimension_numbers = #tpu.dot_dimension_numbers<[1], [0], [0], [1], [0, 0, 1, 1], [], []>, transpose_lhs_hint = false} : vector<4096x256xf32>, vector<256x16xf32>, vector<4096x16xf32> -> vector<4096x16xf32>
    %get3A_1171 = arith.constant 0 : index
    %get3A_1172 = arith.constant 0 : index
    %get3A_1173 = vector.load %arg23[%get3A_1171, %get3A_1172] : memref<1x16xf32, #tpu.memory_space<vmem>>, vector<1x16xf32>
    %add3A_1174 = vector.broadcast %get3A_1173 : vector<1x16xf32> to vector<4096x16xf32>
    %add3A_1175 = arith.addf %dot_general3A_1170, %add3A_1174 : vector<4096x16xf32>
    %reduce_max3A = arith.constant dense<0xFF800000> : vector<4096xf32>
    %reduce_max3A_1176 = vector.multi_reduction <maximumf>, %add3A_1175, %reduce_max3A [1] : vector<4096x16xf32> to vector<4096xf32>
    %broadcast_in_dim3A = vector.shape_cast %reduce_max3A_1176 : vector<4096xf32> to vector<4096x1xf32>
    %sub3A_1177 = vector.broadcast %broadcast_in_dim3A : vector<4096x1xf32> to vector<4096x16xf32>
    %sub3A_1178 = arith.subf %add3A_1175, %sub3A_1177 : vector<4096x16xf32>
    %exp3A_1179 = math.exp %sub3A_1178 : vector<4096x16xf32>
    %reduce_sum3A_1180 = arith.constant dense<0.000000e+00> : vector<4096xf32>
    %reduce_sum3A_1181 = vector.multi_reduction <add>, %exp3A_1179, %reduce_sum3A_1180 [1] : vector<4096x16xf32> to vector<4096xf32>
    %broadcast_in_dim3A_1182 = vector.shape_cast %reduce_sum3A_1181 : vector<4096xf32> to vector<4096x1xf32>
    %div3A = vector.broadcast %broadcast_in_dim3A_1182 : vector<4096x1xf32> to vector<4096x16xf32>
    %div3A_1183 = arith.divf %exp3A_1179, %div3A : vector<4096x16xf32>
    %reshape3A_1184 = vector.shape_cast %div3A_1183 : vector<4096x16xf32> to vector<64x64x16xf32>
    %swap3A_1185 = arith.constant 0 : index
    %swap3A_1186 = arith.constant 0 : index
    %swap3A_1187 = arith.constant 0 : index
    %swap3A_1188 = vector.load %arg33[%swap3A_1185, %swap3A_1186, %swap3A_1187] : memref<64x64x16xf32, #tpu.memory_space<vmem>>, vector<64x64x16xf32>
    tpu.vector_store %arg33[%swap3A_1185, %swap3A_1186, %swap3A_1187], %reshape3A_1184 {strides = array<i32>} : memref<64x64x16xf32, #tpu.memory_space<vmem>>, vector<64x64x16xf32>,
    %get3A_1189 = arith.constant 0 : index
    %get3A_1190 = arith.constant 0 : index
    %get3A_1191 = vector.load %arg24[%get3A_1189, %get3A_1190] : memref<16x256xf32, #tpu.memory_space<vmem>>, vector<16x256xf32>
    %dot_general3A_1192 = arith.constant dense<0.000000e+00> : vector<4096x256xf32>
    %dot_general3A_1193 = tpu.matmul %add3A_1139, %get3A_1191, %dot_general3A_1192 {dimension_numbers = #tpu.dot_dimension_numbers<[1], [0], [0], [1], [0, 0, 1, 1], [], []>, transpose_lhs_hint = false} : vector<4096x16xf32>, vector<16x256xf32>, vector<4096x256xf32> -> vector<4096x256xf32>
    %get3A_1194 = arith.constant 0 : index
    %get3A_1195 = arith.constant 0 : index
    %get3A_1196 = vector.load %arg25[%get3A_1194, %get3A_1195] : memref<1x256xf32, #tpu.memory_space<vmem>>, vector<1x256xf32>
    %add3A_1197 = vector.broadcast %get3A_1196 : vector<1x256xf32> to vector<4096x256xf32>
    %add3A_1198 = arith.addf %dot_general3A_1193, %add3A_1197 : vector<4096x256xf32>
    %max3A_1199 = arith.constant 0.000000e+00 : f32
    %max3A_1200 = vector.broadcast %max3A_1199 : f32 to vector<4096x256xf32>
    %max3A_1201 = arith.maximumf %add3A_1198, %max3A_1200 : vector<4096x256xf32>
    %get3A_1202 = arith.constant 0 : index
    %get3A_1203 = arith.constant 0 : index
    %get3A_1204 = vector.load %arg26[%get3A_1202, %get3A_1203] : memref<256x256xf32, #tpu.memory_space<vmem>>, vector<256x256xf32>
    %dot_general3A_1205 = arith.constant dense<0.000000e+00> : vector<4096x256xf32>
    %dot_general3A_1206 = tpu.matmul %max3A_1201, %get3A_1204, %dot_general3A_1205 {dimension_numbers = #tpu.dot_dimension_numbers<[1], [0], [0], [1], [0, 0, 1, 1], [], []>, transpose_lhs_hint = false} : vector<4096x256xf32>, vector<256x256xf32>, vector<4096x256xf32> -> vector<4096x256xf32>
    %get3A_1207 = arith.constant 0 : index
    %get3A_1208 = arith.constant 0 : index
    %get3A_1209 = vector.load %arg27[%get3A_1207, %get3A_1208] : memref<1x256xf32, #tpu.memory_space<vmem>>, vector<1x256xf32>
    %add3A_1210 = vector.broadcast %get3A_1209 : vector<1x256xf32> to vector<4096x256xf32>
    %add3A_1211 = arith.addf %dot_general3A_1206, %add3A_1210 : vector<4096x256xf32>
    %max3A_1212 = arith.constant 0.000000e+00 : f32
    %max3A_1213 = vector.broadcast %max3A_1212 : f32 to vector<4096x256xf32>
    %max3A_1214 = arith.maximumf %add3A_1211, %max3A_1213 : vector<4096x256xf32>
    %get3A_1215 = arith.constant 0 : index
    %get3A_1216 = arith.constant 0 : index
    %get3A_1217 = vector.load %arg28[%get3A_1215, %get3A_1216] : memref<256x64xf32, #tpu.memory_space<vmem>>, vector<256x64xf32>
    %dot_general3A_1218 = arith.constant dense<0.000000e+00> : vector<4096x64xf32>
    %dot_general3A_1219 = tpu.matmul %max3A_1214, %get3A_1217, %dot_general3A_1218 {dimension_numbers = #tpu.dot_dimension_numbers<[1], [0], [0], [1], [0, 0, 1, 1], [], []>, transpose_lhs_hint = false} : vector<4096x256xf32>, vector<256x64xf32>, vector<4096x64xf32> -> vector<4096x64xf32>
    %get3A_1220 = arith.constant 0 : index
    %get3A_1221 = arith.constant 0 : index
    %get3A_1222 = vector.load %arg29[%get3A_1220, %get3A_1221] : memref<1x64xf32, #tpu.memory_space<vmem>>, vector<1x64xf32>
    %add3A_1223 = vector.broadcast %get3A_1222 : vector<1x64xf32> to vector<4096x64xf32>
    %add3A_1224 = arith.addf %dot_general3A_1219, %add3A_1223 : vector<4096x64xf32>
    %max3A_1225 = arith.constant 0.000000e+00 : f32
    %max3A_1226 = vector.broadcast %max3A_1225 : f32 to vector<4096x64xf32>
    %max3A_1227 = arith.maximumf %add3A_1224, %max3A_1226 : vector<4096x64xf32>
    %get3A_1228 = arith.constant 0 : index
    %get3A_1229 = arith.constant 0 : index
    %get3A_1230 = vector.load %arg30[%get3A_1228, %get3A_1229] : memref<1x2xf32, #tpu.memory_space<vmem>>, vector<1x1xf32>
    %get3A_1231 = vector.extract %get3A_1230[0, 0] : f32 from vector<1x1xf32>
    %mul3A_1232 = vector.broadcast %get3A_1231 : f32 to vector<4096x64xf32>
    %mul3A_1233 = arith.mulf %max3A_1227, %mul3A_1232 : vector<4096x64xf32>
    %get3A_1234 = arith.constant 0 : index
    %get3A_1235 = arith.constant 1 : index
    %get3A_1236 = vector.load %arg30[%get3A_1234, %get3A_1235] : memref<1x2xf32, #tpu.memory_space<vmem>>, vector<1x1xf32>
    %get3A_1237 = vector.extract %get3A_1236[0, 0] : f32 from vector<1x1xf32>
    %add3A_1238 = vector.broadcast %get3A_1237 : f32 to vector<4096x64xf32>
    %add3A_1239 = arith.addf %mul3A_1233, %add3A_1238 : vector<4096x64xf32>
    %logistic3A = arith.negf %add3A_1239 : vector<4096x64xf32>
    %logistic3A_1240 = math.exp %logistic3A : vector<4096x64xf32>
    %logistic3A_1241 = arith.constant 1.000000e+00 : f32
    %logistic3A_1242 = vector.broadcast %logistic3A_1241 : f32 to vector<4096x64xf32>
    %logistic3A_1243 = arith.addf %logistic3A_1242, %logistic3A_1240 : vector<4096x64xf32>
    %logistic3A_1244 = arith.divf %logistic3A_1242, %logistic3A_1243 : vector<4096x64xf32>
    %get3A_1245 = arith.constant 0 : index
    %get3A_1246 = arith.constant 0 : index
    %get3A_1247 = vector.load %arg31[%get3A_1245, %get3A_1246] : memref<64x128xf32, #tpu.memory_space<vmem>>, vector<64x128xf32>
    %dot_general3A_1248 = arith.constant dense<0.000000e+00> : vector<4096x128xf32>
    %dot_general3A_1249 = tpu.matmul %logistic3A_1244, %get3A_1247, %dot_general3A_1248 {dimension_numbers = #tpu.dot_dimension_numbers<[1], [0], [0], [1], [0, 0, 1, 1], [], []>, transpose_lhs_hint = false} : vector<4096x64xf32>, vector<64x128xf32>, vector<4096x128xf32> -> vector<4096x128xf32>
    %get3A_1250 = arith.constant 0 : index
    %get3A_1251 = arith.constant 0 : index
    %get3A_1252 = vector.load %arg32[%get3A_1250, %get3A_1251] : memref<1x128xf32, #tpu.memory_space<vmem>>, vector<1x128xf32>
    %add3A_1253 = vector.broadcast %get3A_1252 : vector<1x128xf32> to vector<4096x128xf32>
    %add3A_1254 = arith.addf %dot_general3A_1249, %add3A_1253 : vector<4096x128xf32>
    %reshape3A_1255 = vector.shape_cast %add3A_1254 : vector<4096x128xf32> to vector<64x64x128xf32>
    %swap3A_1256 = arith.constant 0 : index
    %swap3A_1257 = arith.constant 0 : index
    %swap3A_1258 = arith.constant 0 : index
    %swap3A_1259 = vector.load %arg34[%swap3A_1256, %swap3A_1257, %swap3A_1258] : memref<64x64x128xf32, #tpu.memory_space<vmem>>, vector<64x64x128xf32>
    tpu.vector_store %arg34[%swap3A_1256, %swap3A_1257, %swap3A_1258], %reshape3A_1255 {strides = array<i32>} : memref<64x64x128xf32, #tpu.memory_space<vmem>>, vector<64x64x128xf32>,
    return
  }
  func.func @transform_0(%arg0: i32) -> (i32, i32, i32) {
    %c0_i32 = arith.constant 0 : i32
    %c0_i32_0 = arith.constant 0 : i32
    %c0_i32_1 = arith.constant 0 : i32
    return %arg0, %c0_i32, %c0_i32_0 : i32, i32, i32
  }
  func.func @transform_1(%arg0: i32) -> (i32, i32, i32) {
    %c0_i32 = arith.constant 0 : i32
    %c0_i32_0 = arith.constant 0 : i32
    %c0_i32_1 = arith.constant 0 : i32
    return %arg0, %c0_i32, %c0_i32_0 : i32, i32, i32
  }
  func.func @transform_2(%arg0: i32) -> (i32, i32, i32) {
    %c0_i32 = arith.constant 0 : i32
    %c0_i32_0 = arith.constant 0 : i32
    %c0_i32_1 = arith.constant 0 : i32
    return %arg0, %c0_i32, %c0_i32_0 : i32, i32, i32
  }
  func.func @transform_3(%arg0: i32) -> (i32, i32) {
    %c0_i32 = arith.constant 0 : i32
    %c0_i32_0 = arith.constant 0 : i32
    %c0_i32_1 = arith.constant 0 : i32
    return %c0_i32, %c0_i32_0 : i32, i32
  }
  func.func @transform_4(%arg0: i32) -> (i32, i32) {
    %c0_i32 = arith.constant 0 : i32
    %c0_i32_0 = arith.constant 0 : i32
    %c0_i32_1 = arith.constant 0 : i32
    return %c0_i32, %c0_i32_0 : i32, i32
  }
  func.func @transform_5(%arg0: i32) -> (i32, i32) {
    %c0_i32 = arith.constant 0 : i32
    %c0_i32_0 = arith.constant 0 : i32
    %c0_i32_1 = arith.constant 0 : i32
    return %c0_i32, %c0_i32_0 : i32, i32
  }
  func.func @transform_6(%arg0: i32) -> (i32, i32) {
    %c0_i32 = arith.constant 0 : i32
    %c0_i32_0 = arith.constant 0 : i32
    %c0_i32_1 = arith.constant 0 : i32
    return %c0_i32, %c0_i32_0 : i32, i32
  }
  func.func @transform_7(%arg0: i32) -> (i32, i32) {
    %c0_i32 = arith.constant 0 : i32
    %c0_i32_0 = arith.constant 0 : i32
    %c0_i32_1 = arith.constant 0 : i32
    return %c0_i32, %c0_i32_0 : i32, i32
  }
  func.func @transform_8(%arg0: i32) -> (i32, i32) {
    %c0_i32 = arith.constant 0 : i32
    %c0_i32_0 = arith.constant 0 : i32
    %c0_i32_1 = arith.constant 0 : i32
    return %c0_i32, %c0_i32_0 : i32, i32
  }
  func.func @transform_9(%arg0: i32) -> (i32, i32) {
    %c0_i32 = arith.constant 0 : i32
    %c0_i32_0 = arith.constant 0 : i32
    %c0_i32_1 = arith.constant 0 : i32
    return %c0_i32, %c0_i32_0 : i32, i32
  }
  func.func @transform_10(%arg0: i32) -> (i32, i32) {
    %c0_i32 = arith.constant 0 : i32
    %c0_i32_0 = arith.constant 0 : i32
    %c0_i32_1 = arith.constant 0 : i32
    return %c0_i32, %c0_i32_0 : i32, i32
  }
  func.func @transform_11(%arg0: i32) -> (i32, i32) {
    %c0_i32 = arith.constant 0 : i32
    %c0_i32_0 = arith.constant 0 : i32
    %c0_i32_1 = arith.constant 0 : i32
    return %c0_i32, %c0_i32_0 : i32, i32
  }
  func.func @transform_12(%arg0: i32) -> (i32, i32) {
    %c0_i32 = arith.constant 0 : i32
    %c0_i32_0 = arith.constant 0 : i32
    %c0_i32_1 = arith.constant 0 : i32
    return %c0_i32, %c0_i32_0 : i32, i32
  }
  func.func @transform_13(%arg0: i32) -> (i32, i32) {
    %c0_i32 = arith.constant 0 : i32
    %c0_i32_0 = arith.constant 0 : i32
    %c0_i32_1 = arith.constant 0 : i32
    return %c0_i32, %c0_i32_0 : i32, i32
  }
  func.func @transform_14(%arg0: i32) -> (i32, i32) {
    %c0_i32 = arith.constant 0 : i32
    %c0_i32_0 = arith.constant 0 : i32
    %c0_i32_1 = arith.constant 0 : i32
    return %c0_i32, %c0_i32_0 : i32, i32
  }
  func.func @transform_15(%arg0: i32) -> (i32, i32) {
    %c0_i32 = arith.constant 0 : i32
    %c0_i32_0 = arith.constant 0 : i32
    %c0_i32_1 = arith.constant 0 : i32
    return %c0_i32, %c0_i32_0 : i32, i32
  }
  func.func @transform_16(%arg0: i32) -> (i32, i32) {
    %c0_i32 = arith.constant 0 : i32
    %c0_i32_0 = arith.constant 0 : i32
    %c0_i32_1 = arith.constant 0 : i32
    return %c0_i32, %c0_i32_0 : i32, i32
  }
  func.func @transform_17(%arg0: i32) -> (i32, i32) {
    %c0_i32 = arith.constant 0 : i32
    %c0_i32_0 = arith.constant 0 : i32
    %c0_i32_1 = arith.constant 0 : i32
    return %c0_i32, %c0_i32_0 : i32, i32
  }
  func.func @transform_18(%arg0: i32) -> (i32, i32) {
    %c0_i32 = arith.constant 0 : i32
    %c0_i32_0 = arith.constant 0 : i32
    %c0_i32_1 = arith.constant 0 : i32
    return %c0_i32, %c0_i32_0 : i32, i32
  }
  func.func @transform_19(%arg0: i32) -> (i32, i32) {
    %c0_i32 = arith.constant 0 : i32
    %c0_i32_0 = arith.constant 0 : i32
    %c0_i32_1 = arith.constant 0 : i32
    return %c0_i32, %c0_i32_0 : i32, i32
  }
  func.func @transform_20(%arg0: i32) -> (i32, i32) {
    %c0_i32 = arith.constant 0 : i32
    %c0_i32_0 = arith.constant 0 : i32
    %c0_i32_1 = arith.constant 0 : i32
    return %c0_i32, %c0_i32_0 : i32, i32
  }
  func.func @transform_21(%arg0: i32) -> (i32, i32) {
    %c0_i32 = arith.constant 0 : i32
    %c0_i32_0 = arith.constant 0 : i32
    %c0_i32_1 = arith.constant 0 : i32
    return %c0_i32, %c0_i32_0 : i32, i32
  }
  func.func @transform_22(%arg0: i32) -> (i32, i32) {
    %c0_i32 = arith.constant 0 : i32
    %c0_i32_0 = arith.constant 0 : i32
    %c0_i32_1 = arith.constant 0 : i32
    return %c0_i32, %c0_i32_0 : i32, i32
  }
  func.func @transform_23(%arg0: i32) -> (i32, i32) {
    %c0_i32 = arith.constant 0 : i32
    %c0_i32_0 = arith.constant 0 : i32
    %c0_i32_1 = arith.constant 0 : i32
    return %c0_i32, %c0_i32_0 : i32, i32
  }
  func.func @transform_24(%arg0: i32) -> (i32, i32) {
    %c0_i32 = arith.constant 0 : i32
    %c0_i32_0 = arith.constant 0 : i32
    %c0_i32_1 = arith.constant 0 : i32
    return %c0_i32, %c0_i32_0 : i32, i32
  }
  func.func @transform_25(%arg0: i32) -> (i32, i32) {
    %c0_i32 = arith.constant 0 : i32
    %c0_i32_0 = arith.constant 0 : i32
    %c0_i32_1 = arith.constant 0 : i32
    return %c0_i32, %c0_i32_0 : i32, i32
  }
  func.func @transform_26(%arg0: i32) -> (i32, i32) {
    %c0_i32 = arith.constant 0 : i32
    %c0_i32_0 = arith.constant 0 : i32
    %c0_i32_1 = arith.constant 0 : i32
    return %c0_i32, %c0_i32_0 : i32, i32
  }
  func.func @transform_27(%arg0: i32) -> (i32, i32) {
    %c0_i32 = arith.constant 0 : i32
    %c0_i32_0 = arith.constant 0 : i32
    %c0_i32_1 = arith.constant 0 : i32
    return %c0_i32, %c0_i32_0 : i32, i32
  }
  func.func @transform_28(%arg0: i32) -> (i32, i32) {
    %c0_i32 = arith.constant 0 : i32
    %c0_i32_0 = arith.constant 0 : i32
    %c0_i32_1 = arith.constant 0 : i32
    return %c0_i32, %c0_i32_0 : i32, i32
  }
  func.func @transform_29(%arg0: i32) -> (i32, i32) {
    %c0_i32 = arith.constant 0 : i32
    %c0_i32_0 = arith.constant 0 : i32
    %c0_i32_1 = arith.constant 0 : i32
    return %c0_i32, %c0_i32_0 : i32, i32
  }
  func.func @transform_30(%arg0: i32) -> (i32, i32) {
    %c0_i32 = arith.constant 0 : i32
    %c0_i32_0 = arith.constant 0 : i32
    %c0_i32_1 = arith.constant 0 : i32
    return %c0_i32, %c0_i32_0 : i32, i32
  }
  func.func @transform_31(%arg0: i32) -> (i32, i32) {
    %c0_i32 = arith.constant 0 : i32
    %c0_i32_0 = arith.constant 0 : i32
    %c0_i32_1 = arith.constant 0 : i32
    return %c0_i32, %c0_i32_0 : i32, i32
  }
  func.func @transform_32(%arg0: i32) -> (i32, i32, i32) {
    %c0_i32 = arith.constant 0 : i32
    %c0_i32_0 = arith.constant 0 : i32
    %c0_i32_1 = arith.constant 0 : i32
    return %arg0, %c0_i32, %c0_i32_0 : i32, i32, i32
  }
  func.func @transform_33(%arg0: i32) -> (i32, i32, i32) {
    %c0_i32 = arith.constant 0 : i32
    %c0_i32_0 = arith.constant 0 : i32
    %c0_i32_1 = arith.constant 0 : i32
    return %arg0, %c0_i32, %c0_i32_0 : i32, i32, i32
  }
  func.func @transform_34(%arg0: i32) -> (i32, i32, i32) {
    %c0_i32 = arith.constant 0 : i32
    %c0_i32_0 = arith.constant 0 : i32
    %c0_i32_1 = arith.constant 0 : i32
    return %arg0, %c0_i32, %c0_i32_0 : i32, i32, i32
  }
  func.func @transform_35(%arg0: i32) -> (i32, i32, i32) {
    %c0_i32 = arith.constant 0 : i32
    %c0_i32_0 = arith.constant 0 : i32
    %c0_i32_1 = arith.constant 0 : i32
    return %arg0, %c0_i32, %c0_i32_0 : i32, i32, i32
  }
}

</mosaic_0001>

<sc_bundles>
// kernel: sparse-core-data-format-call.cloned.1.call-start
scs
called_computation_lowered:
.L_overlay_start_0:
0x0: {  	s2 =	sld [smem:$0x3FD9]  }
0x1: {  	s3 =	sld [smem:$0x3FFE];
	_ =	sdelay $0x1  }
0x2: {  	s1 =	srdreg.scid  }
0x3: {  	s0 =	sand.u32 $0x1, s1  }
0x4: {  	s15 =	sshll.u32 s0, $0xA;
	s2 =	sadd.s32 s3, s2  }
0x5: {  	s2 =	sadd.s32 s2, s15  }
0x6: {  	[smem:$0x3F95] =	sst s2  }
0x7: {  	_ = 	snop  }
0x8: {  	s2 =	sld [smem:$0x3FD0];
	_ =	sdelay $0x2  }
0x9: {  	s16 =	simm.s32 $0xA;
	s4 =	simm.s32 $0x10  }
0xa: {  	[smem:s4], [sflag:s16] =	dma.local [hbm:s2], $0x1  }
0xb: {  	_ =	swait.eq [sflag:s16], $0x1  }
0xc: {  	[sflag:s16] =	ssyncset.done $0x0  }
0xd: {  	[sflag:s16] =	ssyncadd.s32 $0xFFFFFFFF  }
0xe: {  	s17 =	sld [smem:$0x11];
	(tm) =	ssettm $0x1  }
0xf: {  	s18 =	sld [smem:$0x3FFB];
	_ =	sdelay $0x3  }
0x10: {  	_ =	strace s18  }
0x11: {  	s3 =	sld [smem:$0x3FFC];
	_ =	sdelay $0x3  }
0x12: {  	_ =	strace s3  }
0x13: {  	s3 =	sld [smem:$0x3FFD];
	_ =	sdelay $0x3  }
0x14: {  	_ =	strace s3  }
0x15: {  	_ =	strace $0x8FFFFFFF  }
0x16: {  	s19 =	sld [smem:$0x3FDB];
	_ =	sdelay $0x1  }
0x17: {  	s20 =	simm.s32 $_scs_section_size  }
0x18: {  	s5 =	simm.s32 $_size__tile_overlayer_lowered;
	s6 =	simm.s32 $_tile_overlayer_lowered  }
0x19: {  	s23 =	simm.s32 $0x1BFF;
	s22 =	sshll.u32 s6, $0x1;
	s3 =	sadd.s32 s20, s19  }
0x1a: {  	s7 =	simm.s32 $0x0;
	s21 =	sshll.u32 s5, $0x1;
	s5 =	sadd.s32 s22, s3  }
0x1b: {  	[timem:s7], [sflag:s23] =	dma.local [hbm:s5], s21  }
0x1c: {  	_ =	swait.ge [sflag:s23], s21  }
0x1d: {  	s4 =	ssub.s32 $0x0, s21;
	[sflag:s23] =	ssyncset.done $0x0  }
0x1e: {  	[sflag:s23] =	ssyncadd.s32 s4;
	_ =	sdelay $0x1  }
0x1f: {  	s24 =	simm.s32 $0x1B8B  }
0x20: {  	_ =	swait.ge [sflag:s24], $0x1  }
0x21: {  	[sflag:s24] =	ssyncset.done $0x0  }
0x22: {  	s26 =	simm.s32 $0x1B8E;
	s25 =	sld [smem:$0x3FFE];
	[sflag:s24] =	ssyncadd.s32 $0xFFFFFFFF  }
0x23: {  	s27 =	simm.s32 $execute0_lowered;
	[smem:$0x3FD2] =	sst s26  }
0x24: {  	s5 =	sshll.u32 s27, $0x1;
	_ =	strace $0x80000046;
	[dreg:$0x1] =	wrdreg $0xFFFFFFFF  }
0x25: {  	s28 =	simm.s32 $_size_execute0_lowered;
	s3 =	sadd.s32 s3, s5;
	[dreg:$0x0] =	wrdreg $0x0  }
0x26: {  	s5 =	sshll.u32 s28, $0x1;
	[dreg:$0x2] =	wrdreg s3  }
0x27: {  	[dreg:$0x3] =	wrdreg s5  }
0x28: {  	[dreg:$0x4] =	wrdreg $0xC0  }
0x29: {  	_ =	task [dreg:s7], $0x5FFFF  }
0x2a: {  	[dreg:$0x1] =	wrdreg $0xFFFFFFFF  }
0x2b: {  	[dreg:$0x0] =	wrdreg $0x60  }
0x2c: {  	[dreg:$0x2] =	wrdreg s25  }
0x2d: {  	[dreg:$0x3] =	wrdreg s17  }
0x2e: {  	[dreg:$0x4] =	wrdreg $0x9  }
0x2f: {  	_ =	task.clear_ibuf [dreg:s7], $0x5FFFF;
	_ =	strace $0x90000046  }
0x30: {  	s29 =	simm.s32 $0x9;
	_ =	strace $0x80000048  }
0x31: {  	_ =	swait.ge [sflag:s29], $0x1  }
0x32: {  	[sflag:s29] =	ssyncadd.s32 $0xFFFFFFFF  }
0x33: {  	_ =	strace $0x90000048  }
0x34: {  	_ =	sfence  }
0x35: {  	s30 =	sld [smem:$0x0];
	_ =	sdelay $0x2  }
0x36: {  	s31 =	sshll.u32 s1, $0xD;
	s1 =	sshrl.u32 s1, $0x2  }
0x37: {  	s3 =	sand.u32 $0x4000, s31;
	s1 =	sadd.s32 s1, s30  }
0x38: {  	s0 =	sor.u32 s3, s0;
	s1 =	sshll.u32 s1, $0x11  }
0x39: {  	s0 =	sor.u32 s1, s0  }
0x3a: {  	s0 =	sadd.s32 $0x8F2B, s0  }
0x3b: {  	[sflag:s0] =	ssyncadd.remote.s32 $0x1  }
0x3c: {  	_ =	sfence.sel $0xFFFF  }
0x3d: {  	[dreg:$0x0] =	wrdreg $0xFFFFFFFF;
	(pc) =	sbr.abs _section_cstart, $3  }
0x3e: {  	[dreg:$0x1] =	wrdreg $0xFFFFFFFF  }
0x3f: {  	_ =	task.clear_ibuf [dreg:s7], $0x2FFFF;
	_ =	strace $0x9FFFFFFF  }
0x40: {  	(tm) =	ssettm $0x7FFFFFFF  }
0x41: {  	_ =	shalt  }
tec
execute0_lowered:
.L_overlay_start_1:
0x0: {  	(tag) =	ssettag $0x1  }
0x1: {  	s0 =	srdreg.scid;
	s5 =	rddreg [dreg:$0x0]  }
0x2: {  	s3 =	rddreg [dreg:$0x1];
	s1 =	sshll.u32 s0, $0x4  }
0x3: {  	s7 =	simm.s32 $0x1;
	s0 =	stileid.u32;
	s1 =	sand.u32 $0x10, s1  }
0x4: {  	s8 =	simm.s32 $0x2;
	s13 =	simm.s32 $0x0;
	s1 =	sor.u32 s0, s1  }
0x5: {  	s15 =	simm.s32 $0x0;
	s14 =	simm.s32 $0x0;
	s2 =	sshll.u32 s1, $0x7  }
0x6: {  	s9 =	simm.s32 $0x0;
	s10 =	simm.s32 $0x0;
	s6 =	ssub.s32 $0x1000, s2  }
0x7: {  	s12 =	simm.s32 $0x0;
	s5 =	sadd.s32 $0x6C00, s5;
	s4 =	sand.u32 $0xF80, s6  }
.Ltmp0:
0x8: {  	s1 =	rddreg [dreg:$0x2];
	p0 =	sne.s32 s4, $0x0;
	(pc) =	sbr.rel .LBB1_1-.Ltmp0, $4  }
0x9: {  	_ =	strace $0x80000047;
	s6 =	sshrl.u32 s6, $0xC;
	s7 =	simm.s32 @!p0 $0x0  }
0xa: {  	s11 =	smov.u32 s2;
	s4 =	simm.s32 $0x1;
	s6 =	sadd.s32 s7, s6  }
0xb: {  	[sflag:s4] =	ssyncpa.u1 $0x0;
	p0 =	por $0x0, $0x0;
	s6 =	sshll.u32 s6, $0x6  }
0xc: {  	[sflag:s8] =	ssyncpa.u1 $0x0;
	s8 =	simm.s32 $0x2000;
	s7 =	sor.u32 $0x1, s6  }
.LBB1_4:
0xd: {  	v5 =	vld [tilespmem:s19+$0xFFFFFFD0];
	[tilespmem:s18+$0x2040 ss:$0x81] =	vst.msk $0xffff, v1  }
0xe: {  	v58 =	vld [tilespmem:s19+$0xFFFFFFE0];
	[tilespmem:s18+$0x2850 ss:$0x81] =	vst.msk $0xffff, v2  }
0xf: {  	s20 =	sshra.s32 s20, $0x2;
	v59 =	vld [tilespmem:s19+$0xFFFFFFF0];
	[tilespmem:s18+$0x3060 ss:$0x81] =	vst.msk $0xffff, v3  }
0x10: {  	v60 =	vld [tilespmem:s19+$0x0];
	[tilespmem:s18+$0x0 ss:$0x81] =	vst.msk $0xffff, v0;
	s17 =	sadd.s32 s20, s17  }
0x11: {  	v61 =	vld [tilespmem:s19+$0x10];
	[tilespmem:s17+$0x3870 ss:$0x81] =	vst.msk $0xffff, v4  }
0x12: {  	v62 =	vld [tilespmem:s19+$0x20];
	[tilespmem:s17+$0x810 ss:$0x81] =	vst.msk $0xffff, v5  }
0x13: {  	s27 =	sshll.u32 s14, $0x1;
	v63 =	vld [tilespmem:s19+$0xFFFFFFC0];
	s28 =	sand.u32 $0x78, s14;
	s15 =	sshll.u32 s15, $0x7;
	[tilespmem:s17+$0x1020 ss:$0x81] =	vst.msk $0xffff, v58  }
0x14: {  	s29 =	sshrl.u32 s14, $0x2;
	s13 =	sshll.u32 s13, $0xA;
	s18 =	sand.u32 $0xF00, s27;
	[tilespmem:s17+$0x1830 ss:$0x81] =	vst.msk $0xffff, v59  }
0x15: {  	s15 =	sand.u32 $0x80, s15;
	s30 =	sand.u32 $0x200, s29;
	s18 =	sor.u32 s28, s18;
	[tilespmem:s17+$0x2040 ss:$0x81] =	vst.msk $0xffff, v60  }
0x16: {  	s31 =	sand.u32 $0x7, s14;
	s15 =	sor.u32 s15, s18;
	s18 =	sadd.s32 s3, s30;
	[tilespmem:s17+$0x2850 ss:$0x81] =	vst.msk $0xffff, v61  }
0x17: {  	s14 =	sshll.u32 s31, $0x12;
	s15 =	sshrl.u32 s15, $0x3;
	s13 =	sadd.s32 s13, s18;
	[tilespmem:s17+$0x3060 ss:$0x81] =	vst.msk $0xffff, v62  }
0x18: {  	s14 =	sor.u32 $0x80, s14;
	[tilespmem:s17+$0x0 ss:$0x81] =	vst.msk $0xffff, v63;
	s13 =	sadd.s32 s15, s13  }
0x19: {  	[hbm4b:s13+s14] =	stream.strided.scatter [tilespmem:s16], [sflag:$0x2], $0x4000, s8, s14, $0x20;
	[tilespmem:$0x10100] =	vst v63  }
.LBB1_5:
0x1a: {  	s16 =	sadd.s32 $0x80, s9  }
0x1b: {  	s13 =	simm.s32 $0x1;
	p2 =	sgt.s32 s16, $0xFFF  }
0x1c: {  	s13 =	simm.s32 @!p2 $0x0  }
0x1d: {  	s17 =	sadd.s32 s13, s10  }
0x1e: {  	s19 =	smov.u32 s11;
	s13 =	sadd.s32 $0x1000, s11;
	p3 =	sgt.s32 s17, $0x1  }
0x1f: {  	s19 =	smov.u32 @p3 s13  }
0x20: {  	p1 =	slt.u32 s12, $0x2;
	s16 =	simm.s32 @p2 $0x0;
	p2 =	sgt.s32 s19, $0xFFF  }
0x21: {  	s18 =	simm.s32 @!p1 $0x2;
	s19 =	smov.u32 @p2 s2;
	p2 =	sne.s32 s12, s7  }
.Ltmp1:
0x22: {  	_ =	swait.ge @!p1 [sflag:s18], $0x4000;
	(pc) =	sbr.rel @!p2 .LBB1_6-.Ltmp1, $4  }
0x23: {  	s15 =	smov.u32 s10;
	[sflag:s18] =	ssyncset.done @!p1 $0x0  }
0x24: {  	s14 =	smov.u32 s11;
	p0 =	por !p0, !p0;
	[sflag:s18] =	ssyncadd.s32 @!p1 $0xFFFFC000  }
0x25: {  	s17 =	simm.s32 @p3 $0x0;
	s13 =	smov.u32 s9;
	s9 =	smov.u32 s16  }
0x26: {  	s10 =	smov.u32 s17;
	s12 =	sadd.s32 $0x1, s12;
	s11 =	smov.u32 s19  }
.LBB1_1:
0x27: {  	p1 =	sge.u32 s12, s6  }
0x28: {  	s16 =	sshll.u32 @!p1 s10, $0x7  }
0x29: {  	s17 =	sand.u32 @!p1 $0x78, s9;
	s18 =	sshll.u32 @!p1 s9, $0x1;
	s16 =	sand.u32 @!p1 $0x80, s16  }
0x2a: {  	s31 =	sadd.s32 $0xFFFFFFFF, s12;
	s18 =	sand.u32 @!p1 $0xF00, s18;
	s16 =	sor.u32 @!p1 s16, s17  }
0x2b: {  	s17 =	sshll.u32 @!p1 s11, $0xA;
	s16 =	sor.u32 @!p1 s18, s16;
	s18 =	sshrl.u32 @!p1 s9, $0x2  }
0x2c: {  	s19 =	sxor.u32 @!p1 $0xFFFFFFFF, s12;
	s17 =	sadd.s32 @!p1 s5, s17;
	s18 =	sand.u32 @!p1 $0x200, s18  }
0x2d: {  	s19 =	sshll.u32 @!p1 s19, $0xE;
	s17 =	sadd.s32 @!p1 s18, s17;
	s18 =	sand.u32 @!p1 $0x7, s9  }
0x2e: {  	s19 =	sand.u32 @!p1 $0x4000, s19;
	s16 =	sshrl.u32 @!p1 s16, $0x3;
	s18 =	sshll.u32 @!p1 s18, $0x12  }
0x2f: {  	s16 =	sadd.s32 @!p1 s16, s17;
	s17 =	sor.u32 @!p1 $0x80, s18;
	s18 =	simm.s32 @!p1 $0x2000  }
0x30: {  	[tilespmem:s19], [sflag:$0x1] =	stream.strided.gather @!p1 [hbm4b:s16+s17], $0x4000, s18, s17, $0x38;
	[tilespmem:$0x10100] =	vst v63  }
0x31: {  	p1 =	sge.u32 s31, s6  }
.Ltmp2:
0x32: {  	_ = 	snop;
	(pc) =	sbr.rel @p1 .LBB1_5-.Ltmp2, $1  }
0x33: {  	_ =	sdelay $0x3  }
0x34: {  	s16 =	simm.s32 $0x1  }
0x35: {  	_ =	swait.ge [sflag:s4], $0x4000;
	s16 =	simm.s32 @!p0 $0x0  }
0x36: {  	[sflag:s4] =	ssyncset.done $0x0;
	s17 =	sshll.u32 s16, $0xE  }
0x37: {  	[sflag:s4] =	ssyncadd.s32 $0xFFFFC000;
	s19 =	sor.u32 $0x40, s17  }
0x38: {  	s16 =	smul.u32 $0x10200, s16;
	v0 =	vld [tilespmem:s19+$0x30]  }
0x39: {  	v3 =	vld [tilespmem:s19+$0xFFFFFFD0]  }
0x3a: {  	s16 =	sshrl.u32 s16, $0x2;
	v4 =	vld [tilespmem:s19+$0xFFFFFFE0]  }
0x3b: {  	v5 =	vld [tilespmem:s19+$0xFFFFFFF0];
	s17 =	sor.u32 $0x8000, s16  }
0x3c: {  	s31 =	sand.u32 $0x1, s12;
	v1 =	vld [tilespmem:s19+$0x0];
	s18 =	sadd.s32 $0x0, s17  }
0x3d: {  	v2 =	vld [tilespmem:s19+$0x10];
	s16 =	smul.u32 $0x10200, s31;
	[tilespmem:s18+$0x3870 ss:$0x81] =	vst.msk $0xffff, v0  }
0x3e: {  	[tilespmem:s18+$0x810 ss:$0x81] =	vst.msk $0xffff, v3;
	v3 =	vld [tilespmem:s19+$0x20]  }
0x3f: {  	s16 =	sshrl.u32 s16, $0x2;
	v0 =	vld [tilespmem:s19+$0xFFFFFFC0];
	[tilespmem:s18+$0x1020 ss:$0x81] =	vst.msk $0xffff, v4;
	s19 =	sadd.s32 $0x80, s19  }
0x40: {  	s20 =	simm.s32 $0x4;
	s21 =	simm.s32 $0x8;
	s16 =	sor.u32 $0x8000, s16;
	[tilespmem:s18+$0x1830 ss:$0x81] =	vst.msk $0xffff, v5;
	v4 =	vld [tilespmem:s19+$0x30]  }
.LBB1_3:
0x41: {  	p1 =	sne.s32 s21, $0x1FC;
	v5 =	vld [tilespmem:s19+$0xFFFFFFD0];
	[tilespmem:s18+$0x2040 ss:$0x81] =	vst.msk $0xffff, v1  }
0x42: {  	v6 =	vld [tilespmem:s19+$0xFFFFFFE0];
	[tilespmem:s18+$0x2850 ss:$0x81] =	vst.msk $0xffff, v2  }
0x43: {  	s22 =	sshra.s32 s20, $0x2;
	s20 =	smov.u32 s21;
	v7 =	vld [tilespmem:s19+$0xFFFFFFF0];
	[tilespmem:s18+$0x3060 ss:$0x81] =	vst.msk $0xffff, v3  }
.Ltmp3:
0x44: {  	v1 =	vld [tilespmem:s19+$0x0];
	[tilespmem:s18+$0x0 ss:$0x81] =	vst.msk $0xffff, v0;
	s18 =	sadd.s32 s22, s17;
	(pc) =	sbr.rel @p1 .LBB1_3-.Ltmp3, $4  }
0x45: {  	v2 =	vld [tilespmem:s19+$0x10];
	[tilespmem:s18+$0x3870 ss:$0x81] =	vst.msk $0xffff, v4  }
0x46: {  	[tilespmem:s18+$0x810 ss:$0x81] =	vst.msk $0xffff, v5;
	v3 =	vld [tilespmem:s19+$0x20]  }
0x47: {  	v0 =	vld [tilespmem:s19+$0xFFFFFFC0];
	[tilespmem:s18+$0x1020 ss:$0x81] =	vst.msk $0xffff, v6;
	s19 =	sadd.s32 $0x80, s19  }
0x48: {  	s21 =	sadd.s32 $0x4, s21;
	v4 =	vld [tilespmem:s19+$0x30];
	[tilespmem:s18+$0x1830 ss:$0x81] =	vst.msk $0xffff, v7  }
.Ltmp4:
0x49: {  	_ = 	snop;
	(pc) =	sbr.rel .LBB1_4-.Ltmp4, $1  }
0x4a: {  	_ =	sdelay $0x3  }
.LBB1_6:
0x4b: {  	_ =	sfence.sel $0x180000  }
0x4c: {  	s2 =	simm.s32 $0x1;
	[bflag:$0x0] =	sbarrier.arrive $0xFFFF  }
0x4d: {  	s31 =	simm.s32 $0x2;
	[sflag:s2] =	ssyncpa.u1 $0x1  }
0x4e: {  	[sflag:s31] =	ssyncpa.u1 $0x1  }
0x4f: {  	p0 =	sne.s32 s0, $0x0;
	_ =	strace $0x90000047  }
0x50: {  	s0 =	sadd.s32 @!p0 $0x100000, s1;
	[bflag:$0x2] =	sbarrier.arrive $0xFFFF  }
0x51: {  	[sflag:s0] =	ssyncadd.tile.s32 @!p0 $0x1;
	_ =	shalt  }
.Lfunc_end1:
_tile_overlayer_lowered:
.L_overlay_start_2:
0x52: {  	(tag) =	ssettag $0x2  }
0x53: {  	s0 =	rddreg [dreg:$0x0];
	s2 =	stileid.u32  }
0x54: {  	s1 =	rddreg [dreg:$0x1];
	p0 =	sne.s32 s2, $0x0  }
0x55: {  	s3 =	rddreg [dreg:$0x2];
	[bflag:$0x3] =	sbarrier.arrive $0xFFFF;
	s2 =	simm.s32 @!p0 $0x1C01  }
0x56: {  	[timem:s3], [sflag:s2] =	dma.local @!p0 [hbm:s0], s1  }
0x57: {  	s0 =	simm.s32 @!p0 $0x1  }
0x58: {  	_ =	swait.ge @!p0 [sflag:s0], s1  }
0x59: {  	s1 =	ssub.s32 @!p0 $0x0, s1;
	[sflag:s0] =	ssyncset.done @!p0 $0x0  }
0x5a: {  	[sflag:s0] =	ssyncadd.s32 @!p0 s1  }
0x5b: {  	[bflag:$0x3] =	sbarrier.arrive $0xFFFF  }
0x5c: {  	_ =	shalt  }

</sc_bundles>
